<compile_context>
chip_gen: v7x
topology: tpu7x:2x2x1
jax: 0.10.2.dev20260603
libtpu: 0.0.44.dev20260713+nightly
codegen_flags: <defaults>
</compile_context>

<pallas_src>
import functools

import jax
import jax.numpy as jnp
from jax import lax
from jax.experimental import pallas as pl
from jax.experimental.pallas import tpu as pltpu
from jax.experimental.pallas import tpu_sc as plsc

NUM_CORES = 2
NUM_SUBCORES = 16
LANES = 16
NW = NUM_CORES * NUM_SUBCORES

B = 16384
D = 128
DSL = D // LANES
BPW = B // NW
CHUNK = 64
NCHUNK = BPW // CHUNK
NBUF = 3
GROUPS = CHUNK // LANES
TSTRIDE = LANES + 1
TTILE = LANES * TSTRIDE

_mesh = plsc.VectorSubcoreMesh(core_axis_name="c", subcore_axis_name="s")


@functools.partial(
    pl.kernel,
    out_type=jax.ShapeDtypeStruct((B,), jnp.float32),
    mesh=_mesh,
    compiler_params=pltpu.CompilerParams(needs_layout_passes=False),
    scratch_types=[
        pltpu.VMEM((BPW,), jnp.int32),
        pltpu.VMEM((BPW,), jnp.int32),
        pltpu.VMEM((NBUF * CHUNK, D), jnp.float32),
        pltpu.VMEM((NBUF * CHUNK, D), jnp.float32),
        pltpu.VMEM((BPW,), jnp.float32),
        pltpu.VMEM((BPW,), jnp.float32),
        pltpu.VMEM((2 * TTILE,), jnp.float32),
        pltpu.VMEM((BPW,), jnp.float32),
        pltpu.VMEM((1,), jnp.float32),
        pltpu.SemaphoreType.DMA,
        pltpu.SemaphoreType.DMA,
        pltpu.SemaphoreType.DMA,
    ],
)
def _mf_sc(user_hbm, item_hbm, utab_hbm, itab_hbm, ubias_hbm, ibias_hbm,
           off_hbm, out_hbm,
           uidx_v, iidx_v, urows, irows, ubias_v, ibias_v, ttile,
           out_v, off_v, sem, bsem, isem):
    wid = lax.axis_index("s") * NUM_CORES + lax.axis_index("c")
    base = wid * BPW

    icp0 = pltpu.async_copy(user_hbm.at[pl.ds(base, BPW)], uidx_v, isem)
    icp1 = pltpu.async_copy(item_hbm.at[pl.ds(base, BPW)], iidx_v, isem)
    pltpu.sync_copy(off_hbm, off_v)
    icp0.wait()
    icp1.wait()

    def issue(c, b):
        s = pl.ds(c * CHUNK, CHUNK)
        pltpu.async_copy(utab_hbm.at[uidx_v.at[s]],
                         urows.at[pl.ds(b, CHUNK)], sem)
        pltpu.async_copy(itab_hbm.at[iidx_v.at[s]],
                         irows.at[pl.ds(b, CHUNK)], sem)

    issue(0, 0)
    issue(1, CHUNK)
    bias_copies = []
    for c in range(BPW // 128):
        s = pl.ds(c * 128, 128)
        bias_copies.append(
            pltpu.async_copy(ubias_hbm.at[uidx_v.at[s]], ubias_v.at[s], bsem))
        bias_copies.append(
            pltpu.async_copy(ibias_hbm.at[iidx_v.at[s]], ibias_v.at[s], bsem))

    lane_iota = lax.iota(jnp.int32, LANES)
    tcol_iota = lane_iota * TSTRIDE

    def cbody(c, carry):
        @pl.when(c + 2 < NCHUNK)
        def _():
            issue(c + 2, lax.rem(c + 2, NBUF) * CHUNK)

        b = lax.rem(c, NBUF) * CHUNK
        s = pl.ds(c * CHUNK, CHUNK)
        pltpu.make_async_copy(utab_hbm.at[uidx_v.at[s]],
                              urows.at[pl.ds(b, CHUNK)], sem).wait()
        pltpu.make_async_copy(itab_hbm.at[iidx_v.at[s]],
                              irows.at[pl.ds(b, CHUNK)], sem).wait()

        def gbody(g):
            row0 = b + g * LANES
            tbase = (g % 2) * TTILE

            def rbody(r):
                urow = urows.at[row0 + r]
                irow = irows.at[row0 + r]
                parts = []
                for k in range(DSL):
                    s = pl.ds(k * LANES, LANES)
                    parts.append(urow[s] * irow[s])
                p = ((parts[0] + parts[1]) + (parts[2] + parts[3])) + \
                    ((parts[4] + parts[5]) + (parts[6] + parts[7]))
                plsc.store_scatter(ttile, [tcol_iota + (tbase + r)], p)

            plsc.parallel_loop(0, LANES, 1, unroll=2)(rbody)
            trows = [plsc.load_gather(ttile, [lane_iota + (tbase + j * TSTRIDE)])
                     for j in range(LANES)]
            while len(trows) > 1:
                trows = [trows[i] + trows[i + 1]
                         for i in range(0, len(trows), 2)]
            plsc.store_scatter(out_v, [lane_iota + (c * CHUNK + g * LANES)],
                               trows[0])

        plsc.parallel_loop(0, GROUPS, 1, unroll=2)(gbody)
        return carry

    lax.fori_loop(0, NCHUNK, cbody, 0)

    for cp in bias_copies:
        cp.wait()

    off = plsc.load_gather(off_v, [jnp.zeros((LANES,), jnp.int32)])

    def combine(i):
        idx = lane_iota + i * LANES
        x = (plsc.load_gather(out_v, [idx])
             + plsc.load_gather(ubias_v, [idx])
             + plsc.load_gather(ibias_v, [idx]) + off)
        plsc.store_scatter(out_v, [idx], 5.5 / (1.0 + jnp.exp(-x)))

    plsc.parallel_loop(0, BPW // LANES, 1, unroll=2)(combine)

    pltpu.sync_copy(out_v, out_hbm.at[pl.ds(base, BPW)])


@jax.jit
def kernel(user, item, user_emb_table, item_emb_table, user_bias, item_bias,
           offset):
    user = user.astype(jnp.int32)
    item = item.astype(jnp.int32)
    off = jnp.reshape(offset, (1,)).astype(jnp.float32)
    return _mf_sc(user, item, user_emb_table, item_emb_table,
                  user_bias, item_bias, off)

# --- scband reference (transcript-rebuilt; emitter-appended) ---
"""Pipeline reference for scband-mf-10754598109892 (READ-ONLY COPY).

The authoritative reference and input builder live on the scoring server;
editing this copy changes nothing except your own understanding.
"""

import jax, jax.numpy as jnp
import numpy as np

NUM_USERS = 100000
NUM_ITEMS = 100000
EMB_DIM = 128
BATCH = 16384


def setup_inputs(seed: int = 0) -> dict:
    key = jax.random.key(seed)
    k1, k2, k3, k4, k5, k6 = jax.random.split(key, 6)
    user = jax.random.randint(k1, (BATCH,), 0, NUM_USERS, dtype=jnp.int64 if jax.config.jax_enable_x64 else jnp.int32)
    item = jax.random.randint(k2, (BATCH,), 0, NUM_ITEMS, dtype=jnp.int64 if jax.config.jax_enable_x64 else jnp.int32)
    # init=True -> RandomUniform(0.0, 0.05)
    user_emb_table = jax.random.uniform(k3, (NUM_USERS, EMB_DIM), dtype=jnp.float32, minval=0.0, maxval=0.05)
    item_emb_table = jax.random.uniform(k4, (NUM_ITEMS, EMB_DIM), dtype=jnp.float32, minval=0.0, maxval=0.05)
    # bias weights initialized to zeros in the original; use small random to make reference non-trivial? keep faithful: zeros
    user_bias = jnp.zeros((NUM_USERS,), dtype=jnp.float32)
    item_bias = jnp.zeros((NUM_ITEMS,), dtype=jnp.float32)
    offset = jnp.zeros((), dtype=jnp.float32)
    return {
        'user': user,
        'item': item,
        'user_emb_table': user_emb_table,
        'item_emb_table': item_emb_table,
        'user_bias': user_bias,
        'item_bias': item_bias,
        'offset': offset,
    }


def sigmoid_range(x, low=0.0, high=5.5):
    return jax.nn.sigmoid(x) * (high - low) + low


def reference(user, item, user_emb_table, item_emb_table, user_bias, item_bias, offset):
    user_emb = jnp.take(user_emb_table, user, axis=0)   # [B, D]
    item_emb = jnp.take(item_emb_table, item, axis=0)   # [B, D]
    element_product = jnp.sum(user_emb * item_emb, axis=1)  # [B]
    user_b = jnp.take(user_bias, user, axis=0)
    item_b = jnp.take(item_bias, item, axis=0)
    element_product = element_product + user_b + item_b + offset
    return sigmoid_range(element_product, low=0.0, high=5.5)

if __name__ == "__main__":
    import jax
    _d = setup_inputs()
    print(jax.jit(kernel)(*tuple(_d.values())))

</pallas_src>

<mosaic_0001>
#map = affine_map<(d0, d1) -> (0)>
#map1 = affine_map<(d0, d1) -> (0, 0)>
module attributes {stable_mosaic.version = 14 : i64} {
  func.func @_mf_sc(%arg0: i32, %arg1: i32, %arg2: memref<16384xi32, #tpu.memory_space<hbm>>, %arg3: memref<16384xi32, #tpu.memory_space<hbm>>, %arg4: memref<100000x128xf32, #tpu.memory_space<hbm>>, %arg5: memref<100000x128xf32, #tpu.memory_space<hbm>>, %arg6: memref<100000xf32, #tpu.memory_space<hbm>>, %arg7: memref<100000xf32, #tpu.memory_space<hbm>>, %arg8: memref<1xf32, #tpu.memory_space<hbm>>, %arg9: memref<16384xf32, #tpu.memory_space<hbm>>, %arg10: memref<512xi32, #tpu.memory_space<vmem>>, %arg11: memref<512xi32, #tpu.memory_space<vmem>>, %arg12: memref<192x128xf32, #tpu.memory_space<vmem>>, %arg13: memref<192x128xf32, #tpu.memory_space<vmem>>, %arg14: memref<512xf32, #tpu.memory_space<vmem>>, %arg15: memref<512xf32, #tpu.memory_space<vmem>>, %arg16: memref<544xf32, #tpu.memory_space<vmem>>, %arg17: memref<512xf32, #tpu.memory_space<vmem>>, %arg18: memref<1xf32, #tpu.memory_space<vmem>>, %arg19: memref<!tpu.dma_semaphore, #tpu.memory_space<semaphore_mem>>, %arg20: memref<!tpu.dma_semaphore, #tpu.memory_space<semaphore_mem>>, %arg21: memref<!tpu.dma_semaphore, #tpu.memory_space<semaphore_mem>>) attributes {dimension_semantics = [#tpu.dimension_semantics<core_parallel>, #tpu.dimension_semantics<subcore_parallel>], iteration_bounds = array<i64: 2, 16>, scalar_prefetch = 0 : i64, scratch_operands = 12 : i64, tpu.core_type = #tpu.core_type<sc_vector_subcore>, window_params = [{transform_indices = #map}, {transform_indices = #map}, {transform_indices = #map1}, {transform_indices = #map1}, {transform_indices = #map}, {transform_indices = #map}, {transform_indices = #map}, {transform_indices = #map}]} {
    %mul3A = arith.constant 2 : i32
    %mul3A_0 = arith.muli %arg1, %mul3A : i32
    %add3A = arith.addi %mul3A_0, %arg0 : i32
    %mul3A_1 = arith.constant 512 : i32
    %mul3A_2 = arith.muli %add3A, %mul3A_1 : i32
    %dma_start3A = tpu.memref_slice %arg2[%mul3A_2] : memref<16384xi32, #tpu.memory_space<hbm>> -> memref<512xi32, #tpu.memory_space<hbm>>
    %dma_start3A_3 = tpu.memref_slice %arg2[%mul3A_2] : memref<16384xi32, #tpu.memory_space<hbm>> -> memref<512xi32, #tpu.memory_space<hbm>>
    tpu.enqueue_dma source(%dma_start3A_3 : memref<512xi32, #tpu.memory_space<hbm>>) target(%arg10 : memref<512xi32, #tpu.memory_space<vmem>>) target_semaphore(%arg21 : memref<!tpu.dma_semaphore, #tpu.memory_space<semaphore_mem>>)
    %dma_start3A_4 = tpu.memref_slice %arg3[%mul3A_2] : memref<16384xi32, #tpu.memory_space<hbm>> -> memref<512xi32, #tpu.memory_space<hbm>>
    %dma_start3A_5 = tpu.memref_slice %arg3[%mul3A_2] : memref<16384xi32, #tpu.memory_space<hbm>> -> memref<512xi32, #tpu.memory_space<hbm>>
    tpu.enqueue_dma source(%dma_start3A_5 : memref<512xi32, #tpu.memory_space<hbm>>) target(%arg11 : memref<512xi32, #tpu.memory_space<vmem>>) target_semaphore(%arg21 : memref<!tpu.dma_semaphore, #tpu.memory_space<semaphore_mem>>)
    "tpu.region"() ({
      %run_scoped3A = tpu.sem_alloc : memref<!tpu.dma_semaphore, #tpu.memory_space<semaphore_mem>>
      tpu.enqueue_dma source(%arg8 : memref<1xf32, #tpu.memory_space<hbm>>) target(%arg18 : memref<1xf32, #tpu.memory_space<vmem>>) target_semaphore(%run_scoped3A : memref<!tpu.dma_semaphore, #tpu.memory_space<semaphore_mem>>)
      tpu.wait_dma2 semaphore(%run_scoped3A : memref<!tpu.dma_semaphore, #tpu.memory_space<semaphore_mem>>) src(%arg8 : memref<1xf32, #tpu.memory_space<hbm>>) dst(%arg18 : memref<1xf32, #tpu.memory_space<vmem>>)
      tpu.yield
    }) : () -> ()
    %dma_wait3A = tpu.memref_slice %arg2[%mul3A_2] : memref<16384xi32, #tpu.memory_space<hbm>> -> memref<512xi32, #tpu.memory_space<hbm>>
    %dma_wait3A_6 = tpu.memref_slice %arg2[%mul3A_2] : memref<16384xi32, #tpu.memory_space<hbm>> -> memref<512xi32, #tpu.memory_space<hbm>>
    tpu.wait_dma2 semaphore(%arg21 : memref<!tpu.dma_semaphore, #tpu.memory_space<semaphore_mem>>) src(%dma_wait3A_6 : memref<512xi32, #tpu.memory_space<hbm>>) dst(%arg10 : memref<512xi32, #tpu.memory_space<vmem>>)
    %dma_wait3A_7 = tpu.memref_slice %arg3[%mul3A_2] : memref<16384xi32, #tpu.memory_space<hbm>> -> memref<512xi32, #tpu.memory_space<hbm>>
    %dma_wait3A_8 = tpu.memref_slice %arg3[%mul3A_2] : memref<16384xi32, #tpu.memory_space<hbm>> -> memref<512xi32, #tpu.memory_space<hbm>>
    tpu.wait_dma2 semaphore(%arg21 : memref<!tpu.dma_semaphore, #tpu.memory_space<semaphore_mem>>) src(%dma_wait3A_8 : memref<512xi32, #tpu.memory_space<hbm>>) dst(%arg11 : memref<512xi32, #tpu.memory_space<vmem>>)
    %dma_start3A_9 = arith.constant 0 : i32
    %dma_start3A_10 = arith.constant 0 : i32
    %dma_start3A_11 = tpu.memref_slice %arg12[%dma_start3A_9, %dma_start3A_10] : memref<192x128xf32, #tpu.memory_space<vmem>> -> memref<64x128xf32, #tpu.memory_space<vmem>>
    %dma_start3A_12 = arith.constant 0 : i32
    %dma_start3A_13 = tpu.memref_slice %arg10[%dma_start3A_12] : memref<512xi32, #tpu.memory_space<vmem>> -> memref<64xi32, #tpu.memory_space<vmem>>
    %dma_start3A_14 = arith.constant 0 : i32
    %dma_start3A_15 = arith.constant 0 : i32
    %dma_start3A_16 = tpu.memref_slice %arg4[%dma_start3A_14, %dma_start3A_15] : memref<100000x128xf32, #tpu.memory_space<hbm>> -> memref<100000x128xf32, #tpu.memory_space<hbm>>
    tpu.enqueue_indirect_dma source(%dma_start3A_16 : memref<100000x128xf32, #tpu.memory_space<hbm>>) target(%dma_start3A_11 : memref<64x128xf32, #tpu.memory_space<vmem>>) offsets(%dma_start3A_13 : memref<64xi32, #tpu.memory_space<vmem>>) semaphore(%arg19 : memref<!tpu.dma_semaphore, #tpu.memory_space<semaphore_mem>>)
    %dma_start3A_17 = arith.constant 0 : i32
    %dma_start3A_18 = arith.constant 0 : i32
    %dma_start3A_19 = tpu.memref_slice %arg13[%dma_start3A_17, %dma_start3A_18] : memref<192x128xf32, #tpu.memory_space<vmem>> -> memref<64x128xf32, #tpu.memory_space<vmem>>
    %dma_start3A_20 = arith.constant 0 : i32
    %dma_start3A_21 = tpu.memref_slice %arg11[%dma_start3A_20] : memref<512xi32, #tpu.memory_space<vmem>> -> memref<64xi32, #tpu.memory_space<vmem>>
    %dma_start3A_22 = arith.constant 0 : i32
    %dma_start3A_23 = arith.constant 0 : i32
    %dma_start3A_24 = tpu.memref_slice %arg5[%dma_start3A_22, %dma_start3A_23] : memref<100000x128xf32, #tpu.memory_space<hbm>> -> memref<100000x128xf32, #tpu.memory_space<hbm>>
    tpu.enqueue_indirect_dma source(%dma_start3A_24 : memref<100000x128xf32, #tpu.memory_space<hbm>>) target(%dma_start3A_19 : memref<64x128xf32, #tpu.memory_space<vmem>>) offsets(%dma_start3A_21 : memref<64xi32, #tpu.memory_space<vmem>>) semaphore(%arg19 : memref<!tpu.dma_semaphore, #tpu.memory_space<semaphore_mem>>)
    %dma_start3A_25 = arith.constant 64 : i32
    %dma_start3A_26 = arith.constant 0 : i32
    %dma_start3A_27 = tpu.memref_slice %arg12[%dma_start3A_25, %dma_start3A_26] : memref<192x128xf32, #tpu.memory_space<vmem>> -> memref<64x128xf32, #tpu.memory_space<vmem>>
    %dma_start3A_28 = arith.constant 64 : i32
    %dma_start3A_29 = tpu.memref_slice %arg10[%dma_start3A_28] : memref<512xi32, #tpu.memory_space<vmem>> -> memref<64xi32, #tpu.memory_space<vmem>>
    %dma_start3A_30 = arith.constant 0 : i32
    %dma_start3A_31 = arith.constant 0 : i32
    %dma_start3A_32 = tpu.memref_slice %arg4[%dma_start3A_30, %dma_start3A_31] : memref<100000x128xf32, #tpu.memory_space<hbm>> -> memref<100000x128xf32, #tpu.memory_space<hbm>>
    tpu.enqueue_indirect_dma source(%dma_start3A_32 : memref<100000x128xf32, #tpu.memory_space<hbm>>) target(%dma_start3A_27 : memref<64x128xf32, #tpu.memory_space<vmem>>) offsets(%dma_start3A_29 : memref<64xi32, #tpu.memory_space<vmem>>) semaphore(%arg19 : memref<!tpu.dma_semaphore, #tpu.memory_space<semaphore_mem>>)
    %dma_start3A_33 = arith.constant 64 : i32
    %dma_start3A_34 = arith.constant 0 : i32
    %dma_start3A_35 = tpu.memref_slice %arg13[%dma_start3A_33, %dma_start3A_34] : memref<192x128xf32, #tpu.memory_space<vmem>> -> memref<64x128xf32, #tpu.memory_space<vmem>>
    %dma_start3A_36 = arith.constant 64 : i32
    %dma_start3A_37 = tpu.memref_slice %arg11[%dma_start3A_36] : memref<512xi32, #tpu.memory_space<vmem>> -> memref<64xi32, #tpu.memory_space<vmem>>
    %dma_start3A_38 = arith.constant 0 : i32
    %dma_start3A_39 = arith.constant 0 : i32
    %dma_start3A_40 = tpu.memref_slice %arg5[%dma_start3A_38, %dma_start3A_39] : memref<100000x128xf32, #tpu.memory_space<hbm>> -> memref<100000x128xf32, #tpu.memory_space<hbm>>
    tpu.enqueue_indirect_dma source(%dma_start3A_40 : memref<100000x128xf32, #tpu.memory_space<hbm>>) target(%dma_start3A_35 : memref<64x128xf32, #tpu.memory_space<vmem>>) offsets(%dma_start3A_37 : memref<64xi32, #tpu.memory_space<vmem>>) semaphore(%arg19 : memref<!tpu.dma_semaphore, #tpu.memory_space<semaphore_mem>>)
    %dma_start3A_41 = arith.constant 0 : i32
    %dma_start3A_42 = tpu.memref_slice %arg14[%dma_start3A_41] : memref<512xf32, #tpu.memory_space<vmem>> -> memref<128xf32, #tpu.memory_space<vmem>>
    %dma_start3A_43 = arith.constant 0 : i32
    %dma_start3A_44 = tpu.memref_slice %arg10[%dma_start3A_43] : memref<512xi32, #tpu.memory_space<vmem>> -> memref<128xi32, #tpu.memory_space<vmem>>
    %dma_start3A_45 = arith.constant 0 : i32
    %dma_start3A_46 = tpu.memref_slice %arg6[%dma_start3A_45] : memref<100000xf32, #tpu.memory_space<hbm>> -> memref<100000xf32, #tpu.memory_space<hbm>>
    tpu.enqueue_indirect_dma source(%dma_start3A_46 : memref<100000xf32, #tpu.memory_space<hbm>>) target(%dma_start3A_42 : memref<128xf32, #tpu.memory_space<vmem>>) offsets(%dma_start3A_44 : memref<128xi32, #tpu.memory_space<vmem>>) semaphore(%arg20 : memref<!tpu.dma_semaphore, #tpu.memory_space<semaphore_mem>>)
    %dma_start3A_47 = arith.constant 0 : i32
    %dma_start3A_48 = tpu.memref_slice %arg15[%dma_start3A_47] : memref<512xf32, #tpu.memory_space<vmem>> -> memref<128xf32, #tpu.memory_space<vmem>>
    %dma_start3A_49 = arith.constant 0 : i32
    %dma_start3A_50 = tpu.memref_slice %arg11[%dma_start3A_49] : memref<512xi32, #tpu.memory_space<vmem>> -> memref<128xi32, #tpu.memory_space<vmem>>
    %dma_start3A_51 = arith.constant 0 : i32
    %dma_start3A_52 = tpu.memref_slice %arg7[%dma_start3A_51] : memref<100000xf32, #tpu.memory_space<hbm>> -> memref<100000xf32, #tpu.memory_space<hbm>>
    tpu.enqueue_indirect_dma source(%dma_start3A_52 : memref<100000xf32, #tpu.memory_space<hbm>>) target(%dma_start3A_48 : memref<128xf32, #tpu.memory_space<vmem>>) offsets(%dma_start3A_50 : memref<128xi32, #tpu.memory_space<vmem>>) semaphore(%arg20 : memref<!tpu.dma_semaphore, #tpu.memory_space<semaphore_mem>>)
    %dma_start3A_53 = arith.constant 128 : i32
    %dma_start3A_54 = tpu.memref_slice %arg14[%dma_start3A_53] : memref<512xf32, #tpu.memory_space<vmem>> -> memref<128xf32, #tpu.memory_space<vmem>>
    %dma_start3A_55 = arith.constant 128 : i32
    %dma_start3A_56 = tpu.memref_slice %arg10[%dma_start3A_55] : memref<512xi32, #tpu.memory_space<vmem>> -> memref<128xi32, #tpu.memory_space<vmem>>
    %dma_start3A_57 = arith.constant 0 : i32
    %dma_start3A_58 = tpu.memref_slice %arg6[%dma_start3A_57] : memref<100000xf32, #tpu.memory_space<hbm>> -> memref<100000xf32, #tpu.memory_space<hbm>>
    tpu.enqueue_indirect_dma source(%dma_start3A_58 : memref<100000xf32, #tpu.memory_space<hbm>>) target(%dma_start3A_54 : memref<128xf32, #tpu.memory_space<vmem>>) offsets(%dma_start3A_56 : memref<128xi32, #tpu.memory_space<vmem>>) semaphore(%arg20 : memref<!tpu.dma_semaphore, #tpu.memory_space<semaphore_mem>>)
    %dma_start3A_59 = arith.constant 128 : i32
    %dma_start3A_60 = tpu.memref_slice %arg15[%dma_start3A_59] : memref<512xf32, #tpu.memory_space<vmem>> -> memref<128xf32, #tpu.memory_space<vmem>>
    %dma_start3A_61 = arith.constant 128 : i32
    %dma_start3A_62 = tpu.memref_slice %arg11[%dma_start3A_61] : memref<512xi32, #tpu.memory_space<vmem>> -> memref<128xi32, #tpu.memory_space<vmem>>
    %dma_start3A_63 = arith.constant 0 : i32
    %dma_start3A_64 = tpu.memref_slice %arg7[%dma_start3A_63] : memref<100000xf32, #tpu.memory_space<hbm>> -> memref<100000xf32, #tpu.memory_space<hbm>>
    tpu.enqueue_indirect_dma source(%dma_start3A_64 : memref<100000xf32, #tpu.memory_space<hbm>>) target(%dma_start3A_60 : memref<128xf32, #tpu.memory_space<vmem>>) offsets(%dma_start3A_62 : memref<128xi32, #tpu.memory_space<vmem>>) semaphore(%arg20 : memref<!tpu.dma_semaphore, #tpu.memory_space<semaphore_mem>>)
    %dma_start3A_65 = arith.constant 256 : i32
    %dma_start3A_66 = tpu.memref_slice %arg14[%dma_start3A_65] : memref<512xf32, #tpu.memory_space<vmem>> -> memref<128xf32, #tpu.memory_space<vmem>>
    %dma_start3A_67 = arith.constant 256 : i32
    %dma_start3A_68 = tpu.memref_slice %arg10[%dma_start3A_67] : memref<512xi32, #tpu.memory_space<vmem>> -> memref<128xi32, #tpu.memory_space<vmem>>
    %dma_start3A_69 = arith.constant 0 : i32
    %dma_start3A_70 = tpu.memref_slice %arg6[%dma_start3A_69] : memref<100000xf32, #tpu.memory_space<hbm>> -> memref<100000xf32, #tpu.memory_space<hbm>>
    tpu.enqueue_indirect_dma source(%dma_start3A_70 : memref<100000xf32, #tpu.memory_space<hbm>>) target(%dma_start3A_66 : memref<128xf32, #tpu.memory_space<vmem>>) offsets(%dma_start3A_68 : memref<128xi32, #tpu.memory_space<vmem>>) semaphore(%arg20 : memref<!tpu.dma_semaphore, #tpu.memory_space<semaphore_mem>>)
    %dma_start3A_71 = arith.constant 256 : i32
    %dma_start3A_72 = tpu.memref_slice %arg15[%dma_start3A_71] : memref<512xf32, #tpu.memory_space<vmem>> -> memref<128xf32, #tpu.memory_space<vmem>>
    %dma_start3A_73 = arith.constant 256 : i32
    %dma_start3A_74 = tpu.memref_slice %arg11[%dma_start3A_73] : memref<512xi32, #tpu.memory_space<vmem>> -> memref<128xi32, #tpu.memory_space<vmem>>
    %dma_start3A_75 = arith.constant 0 : i32
    %dma_start3A_76 = tpu.memref_slice %arg7[%dma_start3A_75] : memref<100000xf32, #tpu.memory_space<hbm>> -> memref<100000xf32, #tpu.memory_space<hbm>>
    tpu.enqueue_indirect_dma source(%dma_start3A_76 : memref<100000xf32, #tpu.memory_space<hbm>>) target(%dma_start3A_72 : memref<128xf32, #tpu.memory_space<vmem>>) offsets(%dma_start3A_74 : memref<128xi32, #tpu.memory_space<vmem>>) semaphore(%arg20 : memref<!tpu.dma_semaphore, #tpu.memory_space<semaphore_mem>>)
    %dma_start3A_77 = arith.constant 384 : i32
    %dma_start3A_78 = tpu.memref_slice %arg14[%dma_start3A_77] : memref<512xf32, #tpu.memory_space<vmem>> -> memref<128xf32, #tpu.memory_space<vmem>>
    %dma_start3A_79 = arith.constant 384 : i32
    %dma_start3A_80 = tpu.memref_slice %arg10[%dma_start3A_79] : memref<512xi32, #tpu.memory_space<vmem>> -> memref<128xi32, #tpu.memory_space<vmem>>
    %dma_start3A_81 = arith.constant 0 : i32
    %dma_start3A_82 = tpu.memref_slice %arg6[%dma_start3A_81] : memref<100000xf32, #tpu.memory_space<hbm>> -> memref<100000xf32, #tpu.memory_space<hbm>>
    tpu.enqueue_indirect_dma source(%dma_start3A_82 : memref<100000xf32, #tpu.memory_space<hbm>>) target(%dma_start3A_78 : memref<128xf32, #tpu.memory_space<vmem>>) offsets(%dma_start3A_80 : memref<128xi32, #tpu.memory_space<vmem>>) semaphore(%arg20 : memref<!tpu.dma_semaphore, #tpu.memory_space<semaphore_mem>>)
    %dma_start3A_83 = arith.constant 384 : i32
    %dma_start3A_84 = tpu.memref_slice %arg15[%dma_start3A_83] : memref<512xf32, #tpu.memory_space<vmem>> -> memref<128xf32, #tpu.memory_space<vmem>>
    %dma_start3A_85 = arith.constant 384 : i32
    %dma_start3A_86 = tpu.memref_slice %arg11[%dma_start3A_85] : memref<512xi32, #tpu.memory_space<vmem>> -> memref<128xi32, #tpu.memory_space<vmem>>
    %dma_start3A_87 = arith.constant 0 : i32
    %dma_start3A_88 = tpu.memref_slice %arg7[%dma_start3A_87] : memref<100000xf32, #tpu.memory_space<hbm>> -> memref<100000xf32, #tpu.memory_space<hbm>>
    tpu.enqueue_indirect_dma source(%dma_start3A_88 : memref<100000xf32, #tpu.memory_space<hbm>>) target(%dma_start3A_84 : memref<128xf32, #tpu.memory_space<vmem>>) offsets(%dma_start3A_86 : memref<128xi32, #tpu.memory_space<vmem>>) semaphore(%arg20 : memref<!tpu.dma_semaphore, #tpu.memory_space<semaphore_mem>>)
    %iota3A = tpu.iota {dimensions = array<i32: 0>} : vector<16xi32>
    %mul3A_89 = arith.constant 17 : i32
    %mul3A_90 = vector.broadcast %mul3A_89 : i32 to vector<16xi32>
    %mul3A_91 = arith.muli %iota3A, %mul3A_90 : vector<16xi32>
    %scan3A = arith.constant 0 : i32
    %scan3A_92 = arith.constant 0 : i32
    %scan3A_93 = arith.constant 8 : i32
    %scan3A_94 = arith.addi %scan3A_92, %scan3A_93 : i32
    %scan3A_95 = arith.constant 1 : i32
    scf.for %scan3A_148 = %scan3A_92 to %scan3A_94 step %scan3A_95  : i32 {
      %add3A_149 = arith.constant 2 : i32
      %add3A_150 = arith.addi %scan3A_148, %add3A_149 : i32
      %lt3A = arith.constant 8 : i32
      %lt3A_151 = arith.cmpi slt, %add3A_150, %lt3A : i32
      %convert_element_type3A = arith.extui %lt3A_151 : i1 to i32
      %cond3A = arith.constant 0 : i32
      %cond3A_152 = arith.cmpi ne, %convert_element_type3A, %cond3A : i32
      scf.if %cond3A_152 {
        %add3A_173 = arith.constant 2 : i32
        %add3A_174 = arith.addi %scan3A_148, %add3A_173 : i32
        %add3A_175 = arith.constant 2 : i32
        %add3A_176 = arith.addi %scan3A_148, %add3A_175 : i32
        %rem3A_177 = arith.constant 3 : i32
        %rem3A_178 = arith.remsi %add3A_176, %rem3A_177 : i32
        %mul3A_179 = arith.constant 64 : i32
        %mul3A_180 = arith.muli %rem3A_178, %mul3A_179 : i32
        %mul3A_181 = arith.constant 64 : i32
        %mul3A_182 = arith.muli %add3A_174, %mul3A_181 : i32
        %dma_start3A_183 = arith.constant 0 : i32
        %dma_start3A_184 = tpu.memref_slice %arg12[%mul3A_180, %dma_start3A_183] : memref<192x128xf32, #tpu.memory_space<vmem>> -> memref<64x128xf32, #tpu.memory_space<vmem>>
        %dma_start3A_185 = tpu.memref_slice %arg10[%mul3A_182] : memref<512xi32, #tpu.memory_space<vmem>> -> memref<64xi32, #tpu.memory_space<vmem>>
        %dma_start3A_186 = arith.constant 0 : i32
        %dma_start3A_187 = arith.constant 0 : i32
        %dma_start3A_188 = tpu.memref_slice %arg4[%dma_start3A_186, %dma_start3A_187] : memref<100000x128xf32, #tpu.memory_space<hbm>> -> memref<100000x128xf32, #tpu.memory_space<hbm>>
        tpu.enqueue_indirect_dma source(%dma_start3A_188 : memref<100000x128xf32, #tpu.memory_space<hbm>>) target(%dma_start3A_184 : memref<64x128xf32, #tpu.memory_space<vmem>>) offsets(%dma_start3A_185 : memref<64xi32, #tpu.memory_space<vmem>>) semaphore(%arg19 : memref<!tpu.dma_semaphore, #tpu.memory_space<semaphore_mem>>)
        %dma_start3A_189 = arith.constant 0 : i32
        %dma_start3A_190 = tpu.memref_slice %arg13[%mul3A_180, %dma_start3A_189] : memref<192x128xf32, #tpu.memory_space<vmem>> -> memref<64x128xf32, #tpu.memory_space<vmem>>
        %dma_start3A_191 = tpu.memref_slice %arg11[%mul3A_182] : memref<512xi32, #tpu.memory_space<vmem>> -> memref<64xi32, #tpu.memory_space<vmem>>
        %dma_start3A_192 = arith.constant 0 : i32
        %dma_start3A_193 = arith.constant 0 : i32
        %dma_start3A_194 = tpu.memref_slice %arg5[%dma_start3A_192, %dma_start3A_193] : memref<100000x128xf32, #tpu.memory_space<hbm>> -> memref<100000x128xf32, #tpu.memory_space<hbm>>
        tpu.enqueue_indirect_dma source(%dma_start3A_194 : memref<100000x128xf32, #tpu.memory_space<hbm>>) target(%dma_start3A_190 : memref<64x128xf32, #tpu.memory_space<vmem>>) offsets(%dma_start3A_191 : memref<64xi32, #tpu.memory_space<vmem>>) semaphore(%arg19 : memref<!tpu.dma_semaphore, #tpu.memory_space<semaphore_mem>>)
      } else {
      }
      %rem3A = arith.constant 3 : i32
      %rem3A_153 = arith.remsi %scan3A_148, %rem3A : i32
      %mul3A_154 = arith.constant 64 : i32
      %mul3A_155 = arith.muli %rem3A_153, %mul3A_154 : i32
      %mul3A_156 = arith.constant 64 : i32
      %mul3A_157 = arith.muli %scan3A_148, %mul3A_156 : i32
      %dma_wait3A_158 = arith.constant 0 : i32
      %dma_wait3A_159 = tpu.memref_slice %arg12[%mul3A_155, %dma_wait3A_158] : memref<192x128xf32, #tpu.memory_space<vmem>> -> memref<64x128xf32, #tpu.memory_space<vmem>>
      %dma_wait3A_160 = tpu.memref_slice %arg10[%mul3A_157] : memref<512xi32, #tpu.memory_space<vmem>> -> memref<64xi32, #tpu.memory_space<vmem>>
      %dma_wait3A_161 = arith.constant 0 : i32
      %dma_wait3A_162 = arith.constant 0 : i32
      %dma_wait3A_163 = tpu.memref_slice %arg4[%dma_wait3A_161, %dma_wait3A_162] : memref<100000x128xf32, #tpu.memory_space<hbm>> -> memref<100000x128xf32, #tpu.memory_space<hbm>>
      tpu.wait_indirect_dma semaphore(%arg19 : memref<!tpu.dma_semaphore, #tpu.memory_space<semaphore_mem>>) src(%dma_wait3A_163 : memref<100000x128xf32, #tpu.memory_space<hbm>>) dst(%dma_wait3A_159 : memref<64x128xf32, #tpu.memory_space<vmem>>)
      %dma_wait3A_164 = arith.constant 0 : i32
      %dma_wait3A_165 = tpu.memref_slice %arg13[%mul3A_155, %dma_wait3A_164] : memref<192x128xf32, #tpu.memory_space<vmem>> -> memref<64x128xf32, #tpu.memory_space<vmem>>
      %dma_wait3A_166 = tpu.memref_slice %arg11[%mul3A_157] : memref<512xi32, #tpu.memory_space<vmem>> -> memref<64xi32, #tpu.memory_space<vmem>>
      %dma_wait3A_167 = arith.constant 0 : i32
      %dma_wait3A_168 = arith.constant 0 : i32
      %dma_wait3A_169 = tpu.memref_slice %arg5[%dma_wait3A_167, %dma_wait3A_168] : memref<100000x128xf32, #tpu.memory_space<hbm>> -> memref<100000x128xf32, #tpu.memory_space<hbm>>
      tpu.wait_indirect_dma semaphore(%arg19 : memref<!tpu.dma_semaphore, #tpu.memory_space<semaphore_mem>>) src(%dma_wait3A_169 : memref<100000x128xf32, #tpu.memory_space<hbm>>) dst(%dma_wait3A_165 : memref<64x128xf32, #tpu.memory_space<vmem>>)
      %parallel_loop3A_170 = arith.constant 0 : i32
      %parallel_loop3A_171 = arith.constant 4 : i32
      %parallel_loop3A_172 = arith.constant 1 : i32
      scf.for %parallel_loop3A_173 = %parallel_loop3A_170 to %parallel_loop3A_171 step %parallel_loop3A_172  : i32 {
        %parallel_loop3A_174 = arith.constant 16 : i32
        %parallel_loop3A_175 = arith.muli %parallel_loop3A_173, %parallel_loop3A_174 : i32
        %parallel_loop3A_176 = arith.addi %mul3A_155, %parallel_loop3A_175 : i32
        %parallel_loop3A_177 = arith.constant 2 : i32
        %parallel_loop3A_178 = arith.constant 0 : i32
        %parallel_loop3A_179 = arith.cmpi eq, %parallel_loop3A_177, %parallel_loop3A_178 : i32
        %parallel_loop3A_180 = arith.constant 1 : i32
        %parallel_loop3A_181 = arith.select %parallel_loop3A_179, %parallel_loop3A_180, %parallel_loop3A_177 : i32
        %parallel_loop3A_182 = arith.remsi %parallel_loop3A_173, %parallel_loop3A_181 : i32
        %parallel_loop3A_183 = arith.constant 0 : i32
        %parallel_loop3A_184 = arith.cmpi ne, %parallel_loop3A_182, %parallel_loop3A_183 : i32
        %parallel_loop3A_185 = arith.constant 0 : i32
        %parallel_loop3A_186 = arith.cmpi slt, %parallel_loop3A_182, %parallel_loop3A_185 : i32
        %parallel_loop3A_187 = arith.constant 0 : i32
        %parallel_loop3A_188 = arith.cmpi slt, %parallel_loop3A_181, %parallel_loop3A_187 : i32
        %parallel_loop3A_189 = arith.xori %parallel_loop3A_186, %parallel_loop3A_188 : i1
        %parallel_loop3A_190 = arith.andi %parallel_loop3A_189, %parallel_loop3A_184 : i1
        %parallel_loop3A_191 = arith.addi %parallel_loop3A_182, %parallel_loop3A_181 : i32
        %parallel_loop3A_192 = arith.select %parallel_loop3A_190, %parallel_loop3A_191, %parallel_loop3A_182 : i32
        %parallel_loop3A_193 = arith.constant 272 : i32
        %parallel_loop3A_194 = arith.muli %parallel_loop3A_192, %parallel_loop3A_193 : i32
        %parallel_loop3A_195 = arith.constant 0 : i32
        %parallel_loop3A_196 = arith.constant 16 : i32
        %parallel_loop3A_197 = arith.constant 1 : i32
        scf.for %parallel_loop3A_300 = %parallel_loop3A_195 to %parallel_loop3A_196 step %parallel_loop3A_197  : i32 {
          %parallel_loop3A_301 = arith.addi %parallel_loop3A_176, %parallel_loop3A_300 : i32
          %parallel_loop3A_302 = arith.addi %parallel_loop3A_176, %parallel_loop3A_300 : i32
          %parallel_loop3A_303 = arith.constant 0 : i32
          %parallel_loop3A_304 = tpu.memref_slice %arg12[%parallel_loop3A_301, %parallel_loop3A_303] : memref<192x128xf32, #tpu.memory_space<vmem>> -> memref<1x128xf32, #tpu.memory_space<vmem>>
          %parallel_loop3A_305 = tpu.memref_squeeze %parallel_loop3A_304 : memref<1x128xf32, #tpu.memory_space<vmem>> -> memref<128xf32, #tpu.memory_space<vmem>>
          %parallel_loop3A_306 = arith.constant 0 : index
          %parallel_loop3A_307 = tpu.vector_load %parallel_loop3A_305[%parallel_loop3A_306] {strides = array<i32>} : memref<128xf32, #tpu.memory_space<vmem>>, vector<16xf32>,
          %parallel_loop3A_308 = arith.constant 0 : i32
          %parallel_loop3A_309 = tpu.memref_slice %arg13[%parallel_loop3A_302, %parallel_loop3A_308] : memref<192x128xf32, #tpu.memory_space<vmem>> -> memref<1x128xf32, #tpu.memory_space<vmem>>
          %parallel_loop3A_310 = tpu.memref_squeeze %parallel_loop3A_309 : memref<1x128xf32, #tpu.memory_space<vmem>> -> memref<128xf32, #tpu.memory_space<vmem>>
          %parallel_loop3A_311 = arith.constant 0 : index
          %parallel_loop3A_312 = tpu.vector_load %parallel_loop3A_310[%parallel_loop3A_311] {strides = array<i32>} : memref<128xf32, #tpu.memory_space<vmem>>, vector<16xf32>,
          %parallel_loop3A_313 = arith.mulf %parallel_loop3A_307, %parallel_loop3A_312 : vector<16xf32>
          %parallel_loop3A_314 = arith.constant 0 : i32
          %parallel_loop3A_315 = tpu.memref_slice %arg12[%parallel_loop3A_301, %parallel_loop3A_314] : memref<192x128xf32, #tpu.memory_space<vmem>> -> memref<1x128xf32, #tpu.memory_space<vmem>>
          %parallel_loop3A_316 = tpu.memref_squeeze %parallel_loop3A_315 : memref<1x128xf32, #tpu.memory_space<vmem>> -> memref<128xf32, #tpu.memory_space<vmem>>
          %parallel_loop3A_317 = arith.constant 16 : index
          %parallel_loop3A_318 = tpu.vector_load %parallel_loop3A_316[%parallel_loop3A_317] {strides = array<i32>} : memref<128xf32, #tpu.memory_space<vmem>>, vector<16xf32>,
          %parallel_loop3A_319 = arith.constant 0 : i32
          %parallel_loop3A_320 = tpu.memref_slice %arg13[%parallel_loop3A_302, %parallel_loop3A_319] : memref<192x128xf32, #tpu.memory_space<vmem>> -> memref<1x128xf32, #tpu.memory_space<vmem>>
          %parallel_loop3A_321 = tpu.memref_squeeze %parallel_loop3A_320 : memref<1x128xf32, #tpu.memory_space<vmem>> -> memref<128xf32, #tpu.memory_space<vmem>>
          %parallel_loop3A_322 = arith.constant 16 : index
          %parallel_loop3A_323 = tpu.vector_load %parallel_loop3A_321[%parallel_loop3A_322] {strides = array<i32>} : memref<128xf32, #tpu.memory_space<vmem>>, vector<16xf32>,
          %parallel_loop3A_324 = arith.mulf %parallel_loop3A_318, %parallel_loop3A_323 : vector<16xf32>
          %parallel_loop3A_325 = arith.constant 0 : i32
          %parallel_loop3A_326 = tpu.memref_slice %arg12[%parallel_loop3A_301, %parallel_loop3A_325] : memref<192x128xf32, #tpu.memory_space<vmem>> -> memref<1x128xf32, #tpu.memory_space<vmem>>
          %parallel_loop3A_327 = tpu.memref_squeeze %parallel_loop3A_326 : memref<1x128xf32, #tpu.memory_space<vmem>> -> memref<128xf32, #tpu.memory_space<vmem>>
          %parallel_loop3A_328 = arith.constant 32 : index
          %parallel_loop3A_329 = tpu.vector_load %parallel_loop3A_327[%parallel_loop3A_328] {strides = array<i32>} : memref<128xf32, #tpu.memory_space<vmem>>, vector<16xf32>,
          %parallel_loop3A_330 = arith.constant 0 : i32
          %parallel_loop3A_331 = tpu.memref_slice %arg13[%parallel_loop3A_302, %parallel_loop3A_330] : memref<192x128xf32, #tpu.memory_space<vmem>> -> memref<1x128xf32, #tpu.memory_space<vmem>>
          %parallel_loop3A_332 = tpu.memref_squeeze %parallel_loop3A_331 : memref<1x128xf32, #tpu.memory_space<vmem>> -> memref<128xf32, #tpu.memory_space<vmem>>
          %parallel_loop3A_333 = arith.constant 32 : index
          %parallel_loop3A_334 = tpu.vector_load %parallel_loop3A_332[%parallel_loop3A_333] {strides = array<i32>} : memref<128xf32, #tpu.memory_space<vmem>>, vector<16xf32>,
          %parallel_loop3A_335 = arith.mulf %parallel_loop3A_329, %parallel_loop3A_334 : vector<16xf32>
          %parallel_loop3A_336 = arith.constant 0 : i32
          %parallel_loop3A_337 = tpu.memref_slice %arg12[%parallel_loop3A_301, %parallel_loop3A_336] : memref<192x128xf32, #tpu.memory_space<vmem>> -> memref<1x128xf32, #tpu.memory_space<vmem>>
          %parallel_loop3A_338 = tpu.memref_squeeze %parallel_loop3A_337 : memref<1x128xf32, #tpu.memory_space<vmem>> -> memref<128xf32, #tpu.memory_space<vmem>>
          %parallel_loop3A_339 = arith.constant 48 : index
          %parallel_loop3A_340 = tpu.vector_load %parallel_loop3A_338[%parallel_loop3A_339] {strides = array<i32>} : memref<128xf32, #tpu.memory_space<vmem>>, vector<16xf32>,
          %parallel_loop3A_341 = arith.constant 0 : i32
          %parallel_loop3A_342 = tpu.memref_slice %arg13[%parallel_loop3A_302, %parallel_loop3A_341] : memref<192x128xf32, #tpu.memory_space<vmem>> -> memref<1x128xf32, #tpu.memory_space<vmem>>
          %parallel_loop3A_343 = tpu.memref_squeeze %parallel_loop3A_342 : memref<1x128xf32, #tpu.memory_space<vmem>> -> memref<128xf32, #tpu.memory_space<vmem>>
          %parallel_loop3A_344 = arith.constant 48 : index
          %parallel_loop3A_345 = tpu.vector_load %parallel_loop3A_343[%parallel_loop3A_344] {strides = array<i32>} : memref<128xf32, #tpu.memory_space<vmem>>, vector<16xf32>,
          %parallel_loop3A_346 = arith.mulf %parallel_loop3A_340, %parallel_loop3A_345 : vector<16xf32>
          %parallel_loop3A_347 = arith.constant 0 : i32
          %parallel_loop3A_348 = tpu.memref_slice %arg12[%parallel_loop3A_301, %parallel_loop3A_347] : memref<192x128xf32, #tpu.memory_space<vmem>> -> memref<1x128xf32, #tpu.memory_space<vmem>>
          %parallel_loop3A_349 = tpu.memref_squeeze %parallel_loop3A_348 : memref<1x128xf32, #tpu.memory_space<vmem>> -> memref<128xf32, #tpu.memory_space<vmem>>
          %parallel_loop3A_350 = arith.constant 64 : index
          %parallel_loop3A_351 = tpu.vector_load %parallel_loop3A_349[%parallel_loop3A_350] {strides = array<i32>} : memref<128xf32, #tpu.memory_space<vmem>>, vector<16xf32>,
          %parallel_loop3A_352 = arith.constant 0 : i32
          %parallel_loop3A_353 = tpu.memref_slice %arg13[%parallel_loop3A_302, %parallel_loop3A_352] : memref<192x128xf32, #tpu.memory_space<vmem>> -> memref<1x128xf32, #tpu.memory_space<vmem>>
          %parallel_loop3A_354 = tpu.memref_squeeze %parallel_loop3A_353 : memref<1x128xf32, #tpu.memory_space<vmem>> -> memref<128xf32, #tpu.memory_space<vmem>>
          %parallel_loop3A_355 = arith.constant 64 : index
          %parallel_loop3A_356 = tpu.vector_load %parallel_loop3A_354[%parallel_loop3A_355] {strides = array<i32>} : memref<128xf32, #tpu.memory_space<vmem>>, vector<16xf32>,
          %parallel_loop3A_357 = arith.mulf %parallel_loop3A_351, %parallel_loop3A_356 : vector<16xf32>
          %parallel_loop3A_358 = arith.constant 0 : i32
          %parallel_loop3A_359 = tpu.memref_slice %arg12[%parallel_loop3A_301, %parallel_loop3A_358] : memref<192x128xf32, #tpu.memory_space<vmem>> -> memref<1x128xf32, #tpu.memory_space<vmem>>
          %parallel_loop3A_360 = tpu.memref_squeeze %parallel_loop3A_359 : memref<1x128xf32, #tpu.memory_space<vmem>> -> memref<128xf32, #tpu.memory_space<vmem>>
          %parallel_loop3A_361 = arith.constant 80 : index
          %parallel_loop3A_362 = tpu.vector_load %parallel_loop3A_360[%parallel_loop3A_361] {strides = array<i32>} : memref<128xf32, #tpu.memory_space<vmem>>, vector<16xf32>,
          %parallel_loop3A_363 = arith.constant 0 : i32
          %parallel_loop3A_364 = tpu.memref_slice %arg13[%parallel_loop3A_302, %parallel_loop3A_363] : memref<192x128xf32, #tpu.memory_space<vmem>> -> memref<1x128xf32, #tpu.memory_space<vmem>>
          %parallel_loop3A_365 = tpu.memref_squeeze %parallel_loop3A_364 : memref<1x128xf32, #tpu.memory_space<vmem>> -> memref<128xf32, #tpu.memory_space<vmem>>
          %parallel_loop3A_366 = arith.constant 80 : index
          %parallel_loop3A_367 = tpu.vector_load %parallel_loop3A_365[%parallel_loop3A_366] {strides = array<i32>} : memref<128xf32, #tpu.memory_space<vmem>>, vector<16xf32>,
          %parallel_loop3A_368 = arith.mulf %parallel_loop3A_362, %parallel_loop3A_367 : vector<16xf32>
          %parallel_loop3A_369 = arith.constant 0 : i32
          %parallel_loop3A_370 = tpu.memref_slice %arg12[%parallel_loop3A_301, %parallel_loop3A_369] : memref<192x128xf32, #tpu.memory_space<vmem>> -> memref<1x128xf32, #tpu.memory_space<vmem>>
          %parallel_loop3A_371 = tpu.memref_squeeze %parallel_loop3A_370 : memref<1x128xf32, #tpu.memory_space<vmem>> -> memref<128xf32, #tpu.memory_space<vmem>>
          %parallel_loop3A_372 = arith.constant 96 : index
          %parallel_loop3A_373 = tpu.vector_load %parallel_loop3A_371[%parallel_loop3A_372] {strides = array<i32>} : memref<128xf32, #tpu.memory_space<vmem>>, vector<16xf32>,
          %parallel_loop3A_374 = arith.constant 0 : i32
          %parallel_loop3A_375 = tpu.memref_slice %arg13[%parallel_loop3A_302, %parallel_loop3A_374] : memref<192x128xf32, #tpu.memory_space<vmem>> -> memref<1x128xf32, #tpu.memory_space<vmem>>
          %parallel_loop3A_376 = tpu.memref_squeeze %parallel_loop3A_375 : memref<1x128xf32, #tpu.memory_space<vmem>> -> memref<128xf32, #tpu.memory_space<vmem>>
          %parallel_loop3A_377 = arith.constant 96 : index
          %parallel_loop3A_378 = tpu.vector_load %parallel_loop3A_376[%parallel_loop3A_377] {strides = array<i32>} : memref<128xf32, #tpu.memory_space<vmem>>, vector<16xf32>,
          %parallel_loop3A_379 = arith.mulf %parallel_loop3A_373, %parallel_loop3A_378 : vector<16xf32>
          %parallel_loop3A_380 = arith.constant 0 : i32
          %parallel_loop3A_381 = tpu.memref_slice %arg12[%parallel_loop3A_301, %parallel_loop3A_380] : memref<192x128xf32, #tpu.memory_space<vmem>> -> memref<1x128xf32, #tpu.memory_space<vmem>>
          %parallel_loop3A_382 = tpu.memref_squeeze %parallel_loop3A_381 : memref<1x128xf32, #tpu.memory_space<vmem>> -> memref<128xf32, #tpu.memory_space<vmem>>
          %parallel_loop3A_383 = arith.constant 112 : index
          %parallel_loop3A_384 = tpu.vector_load %parallel_loop3A_382[%parallel_loop3A_383] {strides = array<i32>} : memref<128xf32, #tpu.memory_space<vmem>>, vector<16xf32>,
          %parallel_loop3A_385 = arith.constant 0 : i32
          %parallel_loop3A_386 = tpu.memref_slice %arg13[%parallel_loop3A_302, %parallel_loop3A_385] : memref<192x128xf32, #tpu.memory_space<vmem>> -> memref<1x128xf32, #tpu.memory_space<vmem>>
          %parallel_loop3A_387 = tpu.memref_squeeze %parallel_loop3A_386 : memref<1x128xf32, #tpu.memory_space<vmem>> -> memref<128xf32, #tpu.memory_space<vmem>>
          %parallel_loop3A_388 = arith.constant 112 : index
          %parallel_loop3A_389 = tpu.vector_load %parallel_loop3A_387[%parallel_loop3A_388] {strides = array<i32>} : memref<128xf32, #tpu.memory_space<vmem>>, vector<16xf32>,
          %parallel_loop3A_390 = arith.mulf %parallel_loop3A_384, %parallel_loop3A_389 : vector<16xf32>
          %parallel_loop3A_391 = arith.addf %parallel_loop3A_313, %parallel_loop3A_324 : vector<16xf32>
          %parallel_loop3A_392 = arith.addf %parallel_loop3A_335, %parallel_loop3A_346 : vector<16xf32>
          %parallel_loop3A_393 = arith.addf %parallel_loop3A_391, %parallel_loop3A_392 : vector<16xf32>
          %parallel_loop3A_394 = arith.addf %parallel_loop3A_357, %parallel_loop3A_368 : vector<16xf32>
          %parallel_loop3A_395 = arith.addf %parallel_loop3A_379, %parallel_loop3A_390 : vector<16xf32>
          %parallel_loop3A_396 = arith.addf %parallel_loop3A_394, %parallel_loop3A_395 : vector<16xf32>
          %parallel_loop3A_397 = arith.addf %parallel_loop3A_393, %parallel_loop3A_396 : vector<16xf32>
          %parallel_loop3A_398 = arith.addi %parallel_loop3A_194, %parallel_loop3A_300 : i32
          %parallel_loop3A_399 = vector.broadcast %parallel_loop3A_398 : i32 to vector<16xi32>
          %parallel_loop3A_400 = arith.addi %mul3A_91, %parallel_loop3A_399 : vector<16xi32>
          tpu.vector_store_idx %arg16[%parallel_loop3A_400], %parallel_loop3A_397 : memref<544xf32, #tpu.memory_space<vmem>>[vector<16xi32>], vector<16xf32>,
        } {sc.loop_unroll_factor = 2 : i64, sc.parallel_access}
        %parallel_loop3A_198 = arith.constant 0 : i32
        %parallel_loop3A_199 = arith.addi %parallel_loop3A_194, %parallel_loop3A_198 : i32
        %parallel_loop3A_200 = vector.broadcast %parallel_loop3A_199 : i32 to vector<16xi32>
        %parallel_loop3A_201 = arith.addi %iota3A, %parallel_loop3A_200 : vector<16xi32>
        %parallel_loop3A_202 = tpu.vector_load_idx %arg16[%parallel_loop3A_201] : memref<544xf32, #tpu.memory_space<vmem>>[vector<16xi32>], vector<16xf32>,
        %parallel_loop3A_203 = arith.constant 17 : i32
        %parallel_loop3A_204 = arith.addi %parallel_loop3A_194, %parallel_loop3A_203 : i32
        %parallel_loop3A_205 = vector.broadcast %parallel_loop3A_204 : i32 to vector<16xi32>
        %parallel_loop3A_206 = arith.addi %iota3A, %parallel_loop3A_205 : vector<16xi32>
        %parallel_loop3A_207 = tpu.vector_load_idx %arg16[%parallel_loop3A_206] : memref<544xf32, #tpu.memory_space<vmem>>[vector<16xi32>], vector<16xf32>,
        %parallel_loop3A_208 = arith.constant 34 : i32
        %parallel_loop3A_209 = arith.addi %parallel_loop3A_194, %parallel_loop3A_208 : i32
        %parallel_loop3A_210 = vector.broadcast %parallel_loop3A_209 : i32 to vector<16xi32>
        %parallel_loop3A_211 = arith.addi %iota3A, %parallel_loop3A_210 : vector<16xi32>
        %parallel_loop3A_212 = tpu.vector_load_idx %arg16[%parallel_loop3A_211] : memref<544xf32, #tpu.memory_space<vmem>>[vector<16xi32>], vector<16xf32>,
        %parallel_loop3A_213 = arith.constant 51 : i32
        %parallel_loop3A_214 = arith.addi %parallel_loop3A_194, %parallel_loop3A_213 : i32
        %parallel_loop3A_215 = vector.broadcast %parallel_loop3A_214 : i32 to vector<16xi32>
        %parallel_loop3A_216 = arith.addi %iota3A, %parallel_loop3A_215 : vector<16xi32>
        %parallel_loop3A_217 = tpu.vector_load_idx %arg16[%parallel_loop3A_216] : memref<544xf32, #tpu.memory_space<vmem>>[vector<16xi32>], vector<16xf32>,
        %parallel_loop3A_218 = arith.constant 68 : i32
        %parallel_loop3A_219 = arith.addi %parallel_loop3A_194, %parallel_loop3A_218 : i32
        %parallel_loop3A_220 = vector.broadcast %parallel_loop3A_219 : i32 to vector<16xi32>
        %parallel_loop3A_221 = arith.addi %iota3A, %parallel_loop3A_220 : vector<16xi32>
        %parallel_loop3A_222 = tpu.vector_load_idx %arg16[%parallel_loop3A_221] : memref<544xf32, #tpu.memory_space<vmem>>[vector<16xi32>], vector<16xf32>,
        %parallel_loop3A_223 = arith.constant 85 : i32
        %parallel_loop3A_224 = arith.addi %parallel_loop3A_194, %parallel_loop3A_223 : i32
        %parallel_loop3A_225 = vector.broadcast %parallel_loop3A_224 : i32 to vector<16xi32>
        %parallel_loop3A_226 = arith.addi %iota3A, %parallel_loop3A_225 : vector<16xi32>
        %parallel_loop3A_227 = tpu.vector_load_idx %arg16[%parallel_loop3A_226] : memref<544xf32, #tpu.memory_space<vmem>>[vector<16xi32>], vector<16xf32>,
        %parallel_loop3A_228 = arith.constant 102 : i32
        %parallel_loop3A_229 = arith.addi %parallel_loop3A_194, %parallel_loop3A_228 : i32
        %parallel_loop3A_230 = vector.broadcast %parallel_loop3A_229 : i32 to vector<16xi32>
        %parallel_loop3A_231 = arith.addi %iota3A, %parallel_loop3A_230 : vector<16xi32>
        %parallel_loop3A_232 = tpu.vector_load_idx %arg16[%parallel_loop3A_231] : memref<544xf32, #tpu.memory_space<vmem>>[vector<16xi32>], vector<16xf32>,
        %parallel_loop3A_233 = arith.constant 119 : i32
        %parallel_loop3A_234 = arith.addi %parallel_loop3A_194, %parallel_loop3A_233 : i32
        %parallel_loop3A_235 = vector.broadcast %parallel_loop3A_234 : i32 to vector<16xi32>
        %parallel_loop3A_236 = arith.addi %iota3A, %parallel_loop3A_235 : vector<16xi32>
        %parallel_loop3A_237 = tpu.vector_load_idx %arg16[%parallel_loop3A_236] : memref<544xf32, #tpu.memory_space<vmem>>[vector<16xi32>], vector<16xf32>,
        %parallel_loop3A_238 = arith.constant 136 : i32
        %parallel_loop3A_239 = arith.addi %parallel_loop3A_194, %parallel_loop3A_238 : i32
        %parallel_loop3A_240 = vector.broadcast %parallel_loop3A_239 : i32 to vector<16xi32>
        %parallel_loop3A_241 = arith.addi %iota3A, %parallel_loop3A_240 : vector<16xi32>
        %parallel_loop3A_242 = tpu.vector_load_idx %arg16[%parallel_loop3A_241] : memref<544xf32, #tpu.memory_space<vmem>>[vector<16xi32>], vector<16xf32>,
        %parallel_loop3A_243 = arith.constant 153 : i32
        %parallel_loop3A_244 = arith.addi %parallel_loop3A_194, %parallel_loop3A_243 : i32
        %parallel_loop3A_245 = vector.broadcast %parallel_loop3A_244 : i32 to vector<16xi32>
        %parallel_loop3A_246 = arith.addi %iota3A, %parallel_loop3A_245 : vector<16xi32>
        %parallel_loop3A_247 = tpu.vector_load_idx %arg16[%parallel_loop3A_246] : memref<544xf32, #tpu.memory_space<vmem>>[vector<16xi32>], vector<16xf32>,
        %parallel_loop3A_248 = arith.constant 170 : i32
        %parallel_loop3A_249 = arith.addi %parallel_loop3A_194, %parallel_loop3A_248 : i32
        %parallel_loop3A_250 = vector.broadcast %parallel_loop3A_249 : i32 to vector<16xi32>
        %parallel_loop3A_251 = arith.addi %iota3A, %parallel_loop3A_250 : vector<16xi32>
        %parallel_loop3A_252 = tpu.vector_load_idx %arg16[%parallel_loop3A_251] : memref<544xf32, #tpu.memory_space<vmem>>[vector<16xi32>], vector<16xf32>,
        %parallel_loop3A_253 = arith.constant 187 : i32
        %parallel_loop3A_254 = arith.addi %parallel_loop3A_194, %parallel_loop3A_253 : i32
        %parallel_loop3A_255 = vector.broadcast %parallel_loop3A_254 : i32 to vector<16xi32>
        %parallel_loop3A_256 = arith.addi %iota3A, %parallel_loop3A_255 : vector<16xi32>
        %parallel_loop3A_257 = tpu.vector_load_idx %arg16[%parallel_loop3A_256] : memref<544xf32, #tpu.memory_space<vmem>>[vector<16xi32>], vector<16xf32>,
        %parallel_loop3A_258 = arith.constant 204 : i32
        %parallel_loop3A_259 = arith.addi %parallel_loop3A_194, %parallel_loop3A_258 : i32
        %parallel_loop3A_260 = vector.broadcast %parallel_loop3A_259 : i32 to vector<16xi32>
        %parallel_loop3A_261 = arith.addi %iota3A, %parallel_loop3A_260 : vector<16xi32>
        %parallel_loop3A_262 = tpu.vector_load_idx %arg16[%parallel_loop3A_261] : memref<544xf32, #tpu.memory_space<vmem>>[vector<16xi32>], vector<16xf32>,
        %parallel_loop3A_263 = arith.constant 221 : i32
        %parallel_loop3A_264 = arith.addi %parallel_loop3A_194, %parallel_loop3A_263 : i32
        %parallel_loop3A_265 = vector.broadcast %parallel_loop3A_264 : i32 to vector<16xi32>
        %parallel_loop3A_266 = arith.addi %iota3A, %parallel_loop3A_265 : vector<16xi32>
        %parallel_loop3A_267 = tpu.vector_load_idx %arg16[%parallel_loop3A_266] : memref<544xf32, #tpu.memory_space<vmem>>[vector<16xi32>], vector<16xf32>,
        %parallel_loop3A_268 = arith.constant 238 : i32
        %parallel_loop3A_269 = arith.addi %parallel_loop3A_194, %parallel_loop3A_268 : i32
        %parallel_loop3A_270 = vector.broadcast %parallel_loop3A_269 : i32 to vector<16xi32>
        %parallel_loop3A_271 = arith.addi %iota3A, %parallel_loop3A_270 : vector<16xi32>
        %parallel_loop3A_272 = tpu.vector_load_idx %arg16[%parallel_loop3A_271] : memref<544xf32, #tpu.memory_space<vmem>>[vector<16xi32>], vector<16xf32>,
        %parallel_loop3A_273 = arith.constant 255 : i32
        %parallel_loop3A_274 = arith.addi %parallel_loop3A_194, %parallel_loop3A_273 : i32
        %parallel_loop3A_275 = vector.broadcast %parallel_loop3A_274 : i32 to vector<16xi32>
        %parallel_loop3A_276 = arith.addi %iota3A, %parallel_loop3A_275 : vector<16xi32>
        %parallel_loop3A_277 = tpu.vector_load_idx %arg16[%parallel_loop3A_276] : memref<544xf32, #tpu.memory_space<vmem>>[vector<16xi32>], vector<16xf32>,
        %parallel_loop3A_278 = arith.addf %parallel_loop3A_202, %parallel_loop3A_207 : vector<16xf32>
        %parallel_loop3A_279 = arith.addf %parallel_loop3A_212, %parallel_loop3A_217 : vector<16xf32>
        %parallel_loop3A_280 = arith.addf %parallel_loop3A_222, %parallel_loop3A_227 : vector<16xf32>
        %parallel_loop3A_281 = arith.addf %parallel_loop3A_232, %parallel_loop3A_237 : vector<16xf32>
        %parallel_loop3A_282 = arith.addf %parallel_loop3A_242, %parallel_loop3A_247 : vector<16xf32>
        %parallel_loop3A_283 = arith.addf %parallel_loop3A_252, %parallel_loop3A_257 : vector<16xf32>
        %parallel_loop3A_284 = arith.addf %parallel_loop3A_262, %parallel_loop3A_267 : vector<16xf32>
        %parallel_loop3A_285 = arith.addf %parallel_loop3A_272, %parallel_loop3A_277 : vector<16xf32>
        %parallel_loop3A_286 = arith.addf %parallel_loop3A_278, %parallel_loop3A_279 : vector<16xf32>
        %parallel_loop3A_287 = arith.addf %parallel_loop3A_280, %parallel_loop3A_281 : vector<16xf32>
        %parallel_loop3A_288 = arith.addf %parallel_loop3A_282, %parallel_loop3A_283 : vector<16xf32>
        %parallel_loop3A_289 = arith.addf %parallel_loop3A_284, %parallel_loop3A_285 : vector<16xf32>
        %parallel_loop3A_290 = arith.addf %parallel_loop3A_286, %parallel_loop3A_287 : vector<16xf32>
        %parallel_loop3A_291 = arith.addf %parallel_loop3A_288, %parallel_loop3A_289 : vector<16xf32>
        %parallel_loop3A_292 = arith.addf %parallel_loop3A_290, %parallel_loop3A_291 : vector<16xf32>
        %parallel_loop3A_293 = arith.constant 64 : i32
        %parallel_loop3A_294 = arith.muli %scan3A_148, %parallel_loop3A_293 : i32
        %parallel_loop3A_295 = arith.constant 16 : i32
        %parallel_loop3A_296 = arith.muli %parallel_loop3A_173, %parallel_loop3A_295 : i32
        %parallel_loop3A_297 = arith.addi %parallel_loop3A_294, %parallel_loop3A_296 : i32
        %parallel_loop3A_298 = vector.broadcast %parallel_loop3A_297 : i32 to vector<16xi32>
        %parallel_loop3A_299 = arith.addi %iota3A, %parallel_loop3A_298 : vector<16xi32>
        tpu.vector_store_idx %arg17[%parallel_loop3A_299], %parallel_loop3A_292 : memref<512xf32, #tpu.memory_space<vmem>>[vector<16xi32>], vector<16xf32>,
      } {sc.loop_unroll_factor = 2 : i64, sc.parallel_access}
    }
    %scan3A_96 = arith.constant 8 : i32
    %dma_wait3A_97 = arith.constant 0 : i32
    %dma_wait3A_98 = tpu.memref_slice %arg14[%dma_wait3A_97] : memref<512xf32, #tpu.memory_space<vmem>> -> memref<128xf32, #tpu.memory_space<vmem>>
    %dma_wait3A_99 = arith.constant 0 : i32
    %dma_wait3A_100 = tpu.memref_slice %arg10[%dma_wait3A_99] : memref<512xi32, #tpu.memory_space<vmem>> -> memref<128xi32, #tpu.memory_space<vmem>>
    %dma_wait3A_101 = arith.constant 0 : i32
    %dma_wait3A_102 = tpu.memref_slice %arg6[%dma_wait3A_101] : memref<100000xf32, #tpu.memory_space<hbm>> -> memref<100000xf32, #tpu.memory_space<hbm>>
    tpu.wait_indirect_dma semaphore(%arg20 : memref<!tpu.dma_semaphore, #tpu.memory_space<semaphore_mem>>) src(%dma_wait3A_102 : memref<100000xf32, #tpu.memory_space<hbm>>) dst(%dma_wait3A_98 : memref<128xf32, #tpu.memory_space<vmem>>)
    %dma_wait3A_103 = arith.constant 0 : i32
    %dma_wait3A_104 = tpu.memref_slice %arg15[%dma_wait3A_103] : memref<512xf32, #tpu.memory_space<vmem>> -> memref<128xf32, #tpu.memory_space<vmem>>
    %dma_wait3A_105 = arith.constant 0 : i32
    %dma_wait3A_106 = tpu.memref_slice %arg11[%dma_wait3A_105] : memref<512xi32, #tpu.memory_space<vmem>> -> memref<128xi32, #tpu.memory_space<vmem>>
    %dma_wait3A_107 = arith.constant 0 : i32
    %dma_wait3A_108 = tpu.memref_slice %arg7[%dma_wait3A_107] : memref<100000xf32, #tpu.memory_space<hbm>> -> memref<100000xf32, #tpu.memory_space<hbm>>
    tpu.wait_indirect_dma semaphore(%arg20 : memref<!tpu.dma_semaphore, #tpu.memory_space<semaphore_mem>>) src(%dma_wait3A_108 : memref<100000xf32, #tpu.memory_space<hbm>>) dst(%dma_wait3A_104 : memref<128xf32, #tpu.memory_space<vmem>>)
    %dma_wait3A_109 = arith.constant 128 : i32
    %dma_wait3A_110 = tpu.memref_slice %arg14[%dma_wait3A_109] : memref<512xf32, #tpu.memory_space<vmem>> -> memref<128xf32, #tpu.memory_space<vmem>>
    %dma_wait3A_111 = arith.constant 128 : i32
    %dma_wait3A_112 = tpu.memref_slice %arg10[%dma_wait3A_111] : memref<512xi32, #tpu.memory_space<vmem>> -> memref<128xi32, #tpu.memory_space<vmem>>
    %dma_wait3A_113 = arith.constant 0 : i32
    %dma_wait3A_114 = tpu.memref_slice %arg6[%dma_wait3A_113] : memref<100000xf32, #tpu.memory_space<hbm>> -> memref<100000xf32, #tpu.memory_space<hbm>>
    tpu.wait_indirect_dma semaphore(%arg20 : memref<!tpu.dma_semaphore, #tpu.memory_space<semaphore_mem>>) src(%dma_wait3A_114 : memref<100000xf32, #tpu.memory_space<hbm>>) dst(%dma_wait3A_110 : memref<128xf32, #tpu.memory_space<vmem>>)
    %dma_wait3A_115 = arith.constant 128 : i32
    %dma_wait3A_116 = tpu.memref_slice %arg15[%dma_wait3A_115] : memref<512xf32, #tpu.memory_space<vmem>> -> memref<128xf32, #tpu.memory_space<vmem>>
    %dma_wait3A_117 = arith.constant 128 : i32
    %dma_wait3A_118 = tpu.memref_slice %arg11[%dma_wait3A_117] : memref<512xi32, #tpu.memory_space<vmem>> -> memref<128xi32, #tpu.memory_space<vmem>>
    %dma_wait3A_119 = arith.constant 0 : i32
    %dma_wait3A_120 = tpu.memref_slice %arg7[%dma_wait3A_119] : memref<100000xf32, #tpu.memory_space<hbm>> -> memref<100000xf32, #tpu.memory_space<hbm>>
    tpu.wait_indirect_dma semaphore(%arg20 : memref<!tpu.dma_semaphore, #tpu.memory_space<semaphore_mem>>) src(%dma_wait3A_120 : memref<100000xf32, #tpu.memory_space<hbm>>) dst(%dma_wait3A_116 : memref<128xf32, #tpu.memory_space<vmem>>)
    %dma_wait3A_121 = arith.constant 256 : i32
    %dma_wait3A_122 = tpu.memref_slice %arg14[%dma_wait3A_121] : memref<512xf32, #tpu.memory_space<vmem>> -> memref<128xf32, #tpu.memory_space<vmem>>
    %dma_wait3A_123 = arith.constant 256 : i32
    %dma_wait3A_124 = tpu.memref_slice %arg10[%dma_wait3A_123] : memref<512xi32, #tpu.memory_space<vmem>> -> memref<128xi32, #tpu.memory_space<vmem>>
    %dma_wait3A_125 = arith.constant 0 : i32
    %dma_wait3A_126 = tpu.memref_slice %arg6[%dma_wait3A_125] : memref<100000xf32, #tpu.memory_space<hbm>> -> memref<100000xf32, #tpu.memory_space<hbm>>
    tpu.wait_indirect_dma semaphore(%arg20 : memref<!tpu.dma_semaphore, #tpu.memory_space<semaphore_mem>>) src(%dma_wait3A_126 : memref<100000xf32, #tpu.memory_space<hbm>>) dst(%dma_wait3A_122 : memref<128xf32, #tpu.memory_space<vmem>>)
    %dma_wait3A_127 = arith.constant 256 : i32
    %dma_wait3A_128 = tpu.memref_slice %arg15[%dma_wait3A_127] : memref<512xf32, #tpu.memory_space<vmem>> -> memref<128xf32, #tpu.memory_space<vmem>>
    %dma_wait3A_129 = arith.constant 256 : i32
    %dma_wait3A_130 = tpu.memref_slice %arg11[%dma_wait3A_129] : memref<512xi32, #tpu.memory_space<vmem>> -> memref<128xi32, #tpu.memory_space<vmem>>
    %dma_wait3A_131 = arith.constant 0 : i32
    %dma_wait3A_132 = tpu.memref_slice %arg7[%dma_wait3A_131] : memref<100000xf32, #tpu.memory_space<hbm>> -> memref<100000xf32, #tpu.memory_space<hbm>>
    tpu.wait_indirect_dma semaphore(%arg20 : memref<!tpu.dma_semaphore, #tpu.memory_space<semaphore_mem>>) src(%dma_wait3A_132 : memref<100000xf32, #tpu.memory_space<hbm>>) dst(%dma_wait3A_128 : memref<128xf32, #tpu.memory_space<vmem>>)
    %dma_wait3A_133 = arith.constant 384 : i32
    %dma_wait3A_134 = tpu.memref_slice %arg14[%dma_wait3A_133] : memref<512xf32, #tpu.memory_space<vmem>> -> memref<128xf32, #tpu.memory_space<vmem>>
    %dma_wait3A_135 = arith.constant 384 : i32
    %dma_wait3A_136 = tpu.memref_slice %arg10[%dma_wait3A_135] : memref<512xi32, #tpu.memory_space<vmem>> -> memref<128xi32, #tpu.memory_space<vmem>>
    %dma_wait3A_137 = arith.constant 0 : i32
    %dma_wait3A_138 = tpu.memref_slice %arg6[%dma_wait3A_137] : memref<100000xf32, #tpu.memory_space<hbm>> -> memref<100000xf32, #tpu.memory_space<hbm>>
    tpu.wait_indirect_dma semaphore(%arg20 : memref<!tpu.dma_semaphore, #tpu.memory_space<semaphore_mem>>) src(%dma_wait3A_138 : memref<100000xf32, #tpu.memory_space<hbm>>) dst(%dma_wait3A_134 : memref<128xf32, #tpu.memory_space<vmem>>)
    %dma_wait3A_139 = arith.constant 384 : i32
    %dma_wait3A_140 = tpu.memref_slice %arg15[%dma_wait3A_139] : memref<512xf32, #tpu.memory_space<vmem>> -> memref<128xf32, #tpu.memory_space<vmem>>
    %dma_wait3A_141 = arith.constant 384 : i32
    %dma_wait3A_142 = tpu.memref_slice %arg11[%dma_wait3A_141] : memref<512xi32, #tpu.memory_space<vmem>> -> memref<128xi32, #tpu.memory_space<vmem>>
    %dma_wait3A_143 = arith.constant 0 : i32
    %dma_wait3A_144 = tpu.memref_slice %arg7[%dma_wait3A_143] : memref<100000xf32, #tpu.memory_space<hbm>> -> memref<100000xf32, #tpu.memory_space<hbm>>
    tpu.wait_indirect_dma semaphore(%arg20 : memref<!tpu.dma_semaphore, #tpu.memory_space<semaphore_mem>>) src(%dma_wait3A_144 : memref<100000xf32, #tpu.memory_space<hbm>>) dst(%dma_wait3A_140 : memref<128xf32, #tpu.memory_space<vmem>>)
    %broadcast_in_dim3A = arith.constant 0 : i32
    %broadcast_in_dim3A_145 = vector.broadcast %broadcast_in_dim3A : i32 to vector<16xi32>
    %gather3A = tpu.vector_load_idx %arg18[%broadcast_in_dim3A_145] : memref<1xf32, #tpu.memory_space<vmem>>[vector<16xi32>], vector<16xf32>,
    %parallel_loop3A = arith.constant 0 : i32
    %parallel_loop3A_146 = arith.constant 32 : i32
    %parallel_loop3A_147 = arith.constant 1 : i32
    scf.for %parallel_loop3A_148 = %parallel_loop3A to %parallel_loop3A_146 step %parallel_loop3A_147  : i32 {
      %parallel_loop3A_149 = arith.constant 16 : i32
      %parallel_loop3A_150 = arith.muli %parallel_loop3A_148, %parallel_loop3A_149 : i32
      %parallel_loop3A_151 = vector.broadcast %parallel_loop3A_150 : i32 to vector<16xi32>
      %parallel_loop3A_152 = arith.addi %iota3A, %parallel_loop3A_151 : vector<16xi32>
      %parallel_loop3A_153 = tpu.vector_load_idx %arg17[%parallel_loop3A_152] : memref<512xf32, #tpu.memory_space<vmem>>[vector<16xi32>], vector<16xf32>,
      %parallel_loop3A_154 = tpu.vector_load_idx %arg14[%parallel_loop3A_152] : memref<512xf32, #tpu.memory_space<vmem>>[vector<16xi32>], vector<16xf32>,
      %parallel_loop3A_155 = arith.addf %parallel_loop3A_153, %parallel_loop3A_154 : vector<16xf32>
      %parallel_loop3A_156 = tpu.vector_load_idx %arg15[%parallel_loop3A_152] : memref<512xf32, #tpu.memory_space<vmem>>[vector<16xi32>], vector<16xf32>,
      %parallel_loop3A_157 = arith.addf %parallel_loop3A_155, %parallel_loop3A_156 : vector<16xf32>
      %parallel_loop3A_158 = arith.addf %parallel_loop3A_157, %gather3A : vector<16xf32>
      %parallel_loop3A_159 = arith.constant 0.000000e+00 : f32
      %parallel_loop3A_160 = vector.broadcast %parallel_loop3A_159 : f32 to vector<16xf32>
      %parallel_loop3A_161 = arith.subf %parallel_loop3A_160, %parallel_loop3A_158 : vector<16xf32>
      %parallel_loop3A_162 = math.exp %parallel_loop3A_161 : vector<16xf32>
      %parallel_loop3A_163 = arith.constant 1.000000e+00 : f32
      %parallel_loop3A_164 = vector.broadcast %parallel_loop3A_163 : f32 to vector<16xf32>
      %parallel_loop3A_165 = arith.addf %parallel_loop3A_164, %parallel_loop3A_162 : vector<16xf32>
      %parallel_loop3A_166 = arith.constant 5.500000e+00 : f32
      %parallel_loop3A_167 = vector.broadcast %parallel_loop3A_166 : f32 to vector<16xf32>
      %parallel_loop3A_168 = arith.divf %parallel_loop3A_167, %parallel_loop3A_165 : vector<16xf32>
      tpu.vector_store_idx %arg17[%parallel_loop3A_152], %parallel_loop3A_168 : memref<512xf32, #tpu.memory_space<vmem>>[vector<16xi32>], vector<16xf32>,
    } {sc.loop_unroll_factor = 2 : i64, sc.parallel_access}
    "tpu.region"() ({
      %run_scoped3A = tpu.sem_alloc : memref<!tpu.dma_semaphore, #tpu.memory_space<semaphore_mem>>
      %dma_start3A_148 = tpu.memref_slice %arg9[%mul3A_2] : memref<16384xf32, #tpu.memory_space<hbm>> -> memref<512xf32, #tpu.memory_space<hbm>>
      %dma_start3A_149 = tpu.memref_slice %arg9[%mul3A_2] : memref<16384xf32, #tpu.memory_space<hbm>> -> memref<512xf32, #tpu.memory_space<hbm>>
      tpu.enqueue_dma source(%arg17 : memref<512xf32, #tpu.memory_space<vmem>>) target(%dma_start3A_149 : memref<512xf32, #tpu.memory_space<hbm>>) target_semaphore(%run_scoped3A : memref<!tpu.dma_semaphore, #tpu.memory_space<semaphore_mem>>)
      %dma_wait3A_150 = tpu.memref_slice %arg9[%mul3A_2] : memref<16384xf32, #tpu.memory_space<hbm>> -> memref<512xf32, #tpu.memory_space<hbm>>
      %dma_wait3A_151 = tpu.memref_slice %arg9[%mul3A_2] : memref<16384xf32, #tpu.memory_space<hbm>> -> memref<512xf32, #tpu.memory_space<hbm>>
      tpu.wait_dma2 semaphore(%run_scoped3A : memref<!tpu.dma_semaphore, #tpu.memory_space<semaphore_mem>>) src(%arg17 : memref<512xf32, #tpu.memory_space<vmem>>) dst(%dma_wait3A_151 : memref<512xf32, #tpu.memory_space<hbm>>)
      tpu.yield
    }) : () -> ()
    return
  }
}

</mosaic_0001>

<sc_bundles>
// kernel: kernel.3.cloned.1.call-start
scs
__scs_entry_jumppad:
0x0: {  	(pc) =	sbr.rel $0x88, $3  }
0x1: {  	(tag) =	ssettag $0x0;
	lr =	simm.s32 $0x1  }
0x2: {  	[smem:$0x3F9A] =	sst lr;
	_ =	strace $0xD0000000  }
0x3: {  	_ = 	snop  }
0x4: {  	_ = 	snop  }
0x5: {  	_ = 	snop  }
0x6: {  	_ = 	snop  }
0x7: {  	_ = 	snop  }
__scs_overlays_trampoline_lowered:
0x8: {  	[smem:$0x3FA9] =	sst s0  }
0x9: {  	[smem:$0x3FAA] =	sst s1  }
0xa: {  	[smem:$0x3FAB] =	sst s2  }
0xb: {  	[smem:$0x3FAC] =	sst s3  }
0xc: {  	[smem:$0x3FAD] =	sst s4  }
0xd: {  	[smem:$0x3FAE] =	sst s5  }
0xe: {  	[smem:$0x3FAF] =	sst s6  }
0xf: {  	[smem:$0x3FB0] =	sst s7  }
0x10: {  	[smem:$0x3FB1] =	sst s8  }
0x11: {  	[smem:$0x3FB2] =	sst s9;
	s0 =	simm.s32 @!p0 $0x0  }
0x12: {  	s1 =	sld [smem:$0x3F98];
	s0 =	simm.s32 @p0 $0x1  }
0x13: {  	[smem:$0x3FB3] =	sst s0;
	s0 =	simm.s32 @!p1 $0x0  }
0x14: {  	s2 =	sld [smem:$0x3F97];
	s0 =	simm.s32 @p1 $0x1  }
0x15: {  	[smem:$0x3FB4] =	sst s0;
	s0 =	simm.s32 @!p2 $0x0  }
0x16: {  	s3 =	sld [smem:$0x3FDB];
	s0 =	simm.s32 @p2 $0x1  }
0x17: {  	s4 =	simm.s32 $0x1BF5;
	[smem:$0x3FB6] =	sst s0  }
0x18: {  	s0 =	sld [smem:$0x3F99];
	_ =	swait.ge [sflag:s4], $0x0  }
0x19: {  	s7 =	sld [smem:$0x3F9A]  }
0x1a: {  	s8 =	sadd.s32 $0xFFFFE003, lr  }
0x1b: {  	s9 =	sadd.s32 $0xFFFFFEF7, lr;
	s5 =	simm.s32 $0xFFFFFFFF;
	p2 =	slt.u32 s8, $0xFFFFF086  }
0x1c: {  	p1 =	slt.u32 s9, $0xF7A;
	s5 =	simm.s32 @!p2 $0x0  }
0x1d: {  	s5 =	simm.s32 @p1 $0x1;
	p0 =	seq.s32 s7, s2  }
0x1e: {  	s7 =	smul.u32 @!p0 $0xF7A, s2;
	p2 =	seq.s32 @!p0 s5, $0x0  }
0x1f: {  	s9 =	smul.u32 $0xF7A, s1;
	s8 =	simm.s32 @!p0 $0x1BF5;
	p2 =	por !p2, p0  }
0x20: {  	[sflag:s8] =	ssyncset.s32 @!p0 $0xFFFFF086;
	s6 =	sadd.s32 @!p0 s3, s7;
	s7 =	simm.s32 @!p0 $0x108  }
0x21: {  	s3 =	sadd.s32 s3, s9;
	s6 =	sadd.s32 @!p0 $0x88, s6;
	s7 =	simm.s32 @p2 $0x1082  }
0x22: {  	[simem:s7], [sflag:s8] =	dma.local @!p0 [hbm:s6], $0xF7A  }
0x23: {  	s9 =	sor.u32 $0xD0000000, s2;
	s6 =	simm.s32 $0x108;
	_ =	swait.ge @!p0 [sflag:s8], $0x0  }
0x24: {  	s3 =	sadd.s32 $0x88, s3;
	s6 =	simm.s32 @!p1 $0x1082;
	[sflag:s4] =	ssyncset.s32 $0xFFFFF086  }
0x25: {  	[simem:s6], [sflag:s4] =	dma.local [hbm:s3], $0xF7A  }
0x26: {  	[smem:$0x3F9A] =	sst s1;
	(tag) =	ssettag s2;
	_ =	strace s9  }
0x27: {  	s1 =	sld [smem:$0x3FAA]  }
0x28: {  	s2 =	sld [smem:$0x3FAB]  }
0x29: {  	s4 =	sld [smem:$0x3FAD]  }
0x2a: {  	p0 =	seq.s32 s5, $0x0;
	s5 =	sld [smem:$0x3FAE]  }
0x2b: {  	s6 =	sld [smem:$0x3FAF]  }
0x2c: {  	s7 =	sld [smem:$0x3FB0]  }
0x2d: {  	s3 =	simm.s32 $0x108;
	s8 =	sld [smem:$0x3FB1]  }
0x2e: {  	s3 =	simm.s32 @!p0 $0x1082;
	s9 =	sld [smem:$0x3FB2]  }
0x2f: {  	lr =	sadd.s32 s0, s3;
	s0 =	sld [smem:$0x3FA9]  }
0x30: {  	s3 =	sld [smem:$0x3FAC]  }
0x31: {  	[smem:$0x3FB5] =	sst s10  }
0x32: {  	s10 =	sld [smem:$0x3FB3];
	_ =	sdelay $0x3  }
0x33: {  	p0 =	seq.s32 s10, $0x1;
	s10 =	sld [smem:$0x3FB5];
	_ =	sdelay $0x3  }
0x34: {  	[smem:$0x3FB5] =	sst s10  }
0x35: {  	s10 =	sld [smem:$0x3FB4];
	_ =	sdelay $0x3  }
0x36: {  	p1 =	seq.s32 s10, $0x1;
	s10 =	sld [smem:$0x3FB5];
	_ =	sdelay $0x3  }
0x37: {  	[smem:$0x3FB5] =	sst s10  }
0x38: {  	s10 =	sld [smem:$0x3FB6]  }
0x39: {  	_ = 	snop;
	(pc) =	sbr.ind lr, $3  }
0x3a: {  	_ = 	snop  }
0x3b: {  	_ = 	snop  }
0x3c: {  	p2 =	seq.s32 s10, $0x1;
	s10 =	sld [smem:$0x3FB5]  }
0x3d: {  	_ =	shalt  }
0x3e: {  	_ =	shalt  }
0x3f: {  	_ =	shalt  }
0x40: {  	_ =	shalt  }
0x41: {  	_ =	shalt  }
0x42: {  	_ =	shalt  }
0x43: {  	_ =	shalt  }
0x44: {  	_ =	shalt  }
0x45: {  	_ =	shalt  }
0x46: {  	_ =	shalt  }
0x47: {  	_ =	shalt  }
0x48: {  	_ =	shalt  }
0x49: {  	_ =	shalt  }
0x4a: {  	_ =	shalt  }
0x4b: {  	_ =	shalt  }
0x4c: {  	_ =	shalt  }
0x4d: {  	_ =	shalt  }
0x4e: {  	_ =	shalt  }
0x4f: {  	_ =	shalt  }
0x50: {  	_ =	shalt  }
0x51: {  	_ =	shalt  }
0x52: {  	_ =	shalt  }
0x53: {  	_ =	shalt  }
0x54: {  	_ =	shalt  }
0x55: {  	_ =	shalt  }
0x56: {  	_ =	shalt  }
0x57: {  	_ =	shalt  }
0x58: {  	_ =	shalt  }
0x59: {  	_ =	shalt  }
0x5a: {  	_ =	shalt  }
0x5b: {  	_ =	shalt  }
0x5c: {  	_ =	shalt  }
0x5d: {  	_ =	shalt  }
0x5e: {  	_ =	shalt  }
0x5f: {  	_ =	shalt  }
0x60: {  	_ =	shalt  }
0x61: {  	_ =	shalt  }
0x62: {  	_ =	shalt  }
0x63: {  	_ =	shalt  }
0x64: {  	_ =	shalt  }
0x65: {  	_ =	shalt  }
0x66: {  	_ =	shalt  }
0x67: {  	_ =	shalt  }
0x68: {  	_ =	shalt  }
0x69: {  	_ =	shalt  }
0x6a: {  	_ =	shalt  }
0x6b: {  	_ =	shalt  }
0x6c: {  	_ =	shalt  }
0x6d: {  	_ =	shalt  }
0x6e: {  	_ =	shalt  }
0x6f: {  	_ =	shalt  }
0x70: {  	_ =	shalt  }
0x71: {  	_ =	shalt  }
0x72: {  	_ =	shalt  }
0x73: {  	_ =	shalt  }
0x74: {  	_ =	shalt  }
0x75: {  	_ =	shalt  }
0x76: {  	_ =	shalt  }
0x77: {  	_ =	shalt  }
0x78: {  	_ =	shalt  }
0x79: {  	_ =	shalt  }
0x7a: {  	_ =	shalt  }
0x7b: {  	_ =	shalt  }
0x7c: {  	_ =	shalt  }
0x7d: {  	_ =	shalt  }
0x7e: {  	_ =	shalt  }
0x7f: {  	_ =	shalt  }
0x80: {  	_ =	shalt  }
0x81: {  	_ =	shalt  }
0x82: {  	_ =	shalt  }
0x83: {  	_ =	shalt  }
0x84: {  	_ =	shalt  }
0x85: {  	_ =	shalt  }
0x86: {  	_ =	shalt  }
0x87: {  	_ =	shalt  }
.Lfunc_end0:
.L_simem_size_0:
called_computation_lowered:
.L_overlay_start_0:
0x88: {  	s2 =	sld [smem:$0x3FD9]  }
0x89: {  	s3 =	sld [smem:$0x3FFE];
	_ =	sdelay $0x1  }
0x8a: {  	s1 =	srdreg.scid  }
0x8b: {  	s0 =	sand.u32 $0x1, s1  }
0x8c: {  	s18 =	sshll.u32 s0, $0xA;
	s2 =	sadd.s32 s3, s2  }
0x8d: {  	s2 =	sadd.s32 s2, s18  }
0x8e: {  	[smem:$0x3FC1] =	sst s2  }
0x8f: {  	_ = 	snop  }
0x90: {  	s2 =	sld [smem:$0x3FC9]  }
0x91: {  	s19 =	sld [smem:$0x3FC8]  }
0x92: {  	s4 =	sld [smem:$0x3FC7]  }
0x93: {  	s5 =	sld [smem:$0x3FC6]  }
0x94: {  	s6 =	sld [smem:$0x3FC5]  }
0x95: {  	s7 =	sld [smem:$0x3FC4]  }
0x96: {  	s8 =	sld [smem:$0x3FC3]  }
0x97: {  	s9 =	sld [smem:$0x3FD0];
	(tm) =	ssettm $0x1  }
0x98: {  	s10 =	sld [smem:$0x3FFB];
	_ =	sdelay $0x3  }
0x99: {  	_ =	strace s10  }
0x9a: {  	s10 =	sld [smem:$0x3FFC];
	_ =	sdelay $0x3  }
0x9b: {  	_ =	strace s10  }
0x9c: {  	s10 =	sld [smem:$0x3FFD];
	_ =	sdelay $0x3  }
0x9d: {  	_ =	strace s10  }
0x9e: {  	_ =	strace $0x8FFFFFFF  }
0x9f: {  	s20 =	sld [smem:$0x3FDB];
	_ =	sdelay $0x1  }
0xa0: {  	s11 =	simm.s32 $_scs_section_size  }
0xa1: {  	s12 =	simm.s32 $_size__tile_overlayer_lowered;
	s13 =	simm.s32 $_tile_overlayer_lowered  }
0xa2: {  	s23 =	simm.s32 $0x1BFF;
	s22 =	sshll.u32 s13, $0x1;
	s10 =	sadd.s32 s11, s20  }
0xa3: {  	s14 =	simm.s32 $0x0;
	s21 =	sshll.u32 s12, $0x1;
	s12 =	sadd.s32 s22, s10  }
0xa4: {  	[timem:s14], [sflag:s23] =	dma.local [hbm:s12], s21  }
0xa5: {  	_ =	swait.ge [sflag:s23], s21  }
0xa6: {  	s11 =	ssub.s32 $0x0, s21;
	[sflag:s23] =	ssyncset.done $0x0  }
0xa7: {  	[sflag:s23] =	ssyncadd.s32 s11;
	_ =	sdelay $0x1  }
0xa8: {  	s24 =	simm.s32 $0x1B8B  }
0xa9: {  	_ =	swait.ge [sflag:s24], $0x1  }
0xaa: {  	[sflag:s24] =	ssyncset.done $0x0  }
0xab: {  	s25 =	simm.s32 $0x1B8E;
	[sflag:s24] =	ssyncadd.s32 $0xFFFFFFFF  }
0xac: {  	s26 =	simm.s32 $execute0_lowered;
	[smem:$0x3FD2] =	sst s25  }
0xad: {  	s11 =	sshll.u32 s26, $0x1;
	_ =	strace $0x80000046;
	[dreg:$0x1] =	wrdreg $0xFFFFFFFF  }
0xae: {  	s28 =	simm.s32 $_size_execute0_lowered;
	s10 =	sadd.s32 s10, s11;
	[dreg:$0x0] =	wrdreg $0x0  }
0xaf: {  	s11 =	sshll.u32 s28, $0x1;
	[dreg:$0x2] =	wrdreg s10  }
0xb0: {  	[dreg:$0x3] =	wrdreg s11  }
0xb1: {  	[dreg:$0x4] =	wrdreg $0xC0  }
0xb2: {  	_ =	task [dreg:s14], $0x5FFFF  }
0xb3: {  	[dreg:$0x1] =	wrdreg $0xFFFFFFFF  }
0xb4: {  	[dreg:$0x0] =	wrdreg $0x60  }
0xb5: {  	[dreg:$0x2] =	wrdreg s2  }
0xb6: {  	[dreg:$0x3] =	wrdreg s19  }
0xb7: {  	[dreg:$0x4] =	wrdreg s4  }
0xb8: {  	[dreg:$0x5] =	wrdreg s5  }
0xb9: {  	[dreg:$0x6] =	wrdreg s6  }
0xba: {  	[dreg:$0x7] =	wrdreg s7  }
0xbb: {  	[dreg:$0x8] =	wrdreg s8  }
0xbc: {  	[dreg:$0x9] =	wrdreg s9  }
0xbd: {  	[dreg:$0xa] =	wrdreg $0x9  }
0xbe: {  	_ =	task.clear_ibuf [dreg:s14], $0xBFFFF;
	_ =	strace $0x90000046  }
0xbf: {  	s29 =	simm.s32 $0x9;
	_ =	strace $0x80000048  }
0xc0: {  	_ =	swait.ge [sflag:s29], $0x1  }
0xc1: {  	[sflag:s29] =	ssyncadd.s32 $0xFFFFFFFF  }
0xc2: {  	_ =	strace $0x90000048  }
0xc3: {  	_ =	sfence  }
0xc4: {  	s30 =	sld [smem:$0x0];
	_ =	sdelay $0x2  }
0xc5: {  	s31 =	sshll.u32 s1, $0xD;
	s1 =	sshrl.u32 s1, $0x2  }
0xc6: {  	s3 =	sand.u32 $0x4000, s31;
	s1 =	sadd.s32 s1, s30  }
0xc7: {  	s0 =	sor.u32 s3, s0;
	s1 =	sshll.u32 s1, $0x11  }
0xc8: {  	s0 =	sor.u32 s1, s0  }
0xc9: {  	s0 =	sadd.s32 $0x8F2B, s0  }
0xca: {  	[sflag:s0] =	ssyncadd.remote.s32 $0x1  }
0xcb: {  	_ =	sfence.sel $0xFFFF  }
0xcc: {  	[dreg:$0x0] =	wrdreg $0xFFFFFFFF;
	(pc) =	sbr.abs _section_cstart, $3  }
0xcd: {  	[dreg:$0x1] =	wrdreg $0xFFFFFFFF  }
0xce: {  	_ =	task.clear_ibuf [dreg:s14], $0x2FFFF;
	_ =	strace $0x9FFFFFFF  }
0xcf: {  	(tm) =	ssettm $0x7FFFFFFF  }
tec
execute0_lowered:
.L_overlay_start_1:
0x0: {  	(tag) =	ssettag $0x1  }
0x1: {  	s1 =	rddreg [dreg:$0x0]  }
0x2: {  	s5 =	rddreg [dreg:$0x1]  }
0x3: {  	s0 =	rddreg [dreg:$0x2]  }
0x4: {  	s2 =	rddreg [dreg:$0x3]  }
0x5: {  	s3 =	rddreg [dreg:$0x4]  }
0x6: {  	s4 =	rddreg [dreg:$0x5];
	v0 =	vlaneseq.u32  }
0x7: {  	s6 =	rddreg [dreg:$0x7];
	s8 =	srdreg.scid;
	v1 =	vmul.u32 $0x11, v0;
	v2 =	vadd.s32 $0x11, v0  }
0x8: {  	s7 =	simm.s32 $0x0;
	s11 =	stileid.u32;
	s14 =	simm.s32 $0x4;
	v3 =	vadd.s32 $0x22, v0;
	v4 =	vadd.s32 $0x33, v0;
	v5 =	vadd.s32 $0x44, v0  }
0x9: {  	s15 =	simm.s32 $0x3;
	s16 =	simm.s32 $0x40;
	s22 =	simm.s32 $0x80;
	v6 =	vadd.s32 $0x55, v0;
	v7 =	vadd.s32 $0x66, v0;
	v8 =	vadd.s32 $0x77, v0  }
0xa: {  	s23 =	simm.s32 $0xC400;
	s24 =	simm.s32 $0xC600;
	s19 =	simm.s32 $0x1;
	v9 =	vadd.s32 $0x88, v0;
	v10 =	vadd.s32 $0x99, v0;
	v11 =	vadd.s32 $0xAA, v0  }
0xb: {  	s20 =	simm.s32 $0xC800;
	s21 =	simm.s32 $0xCA80;
	s25 =	simm.s32 $0x2;
	v12 =	vadd.s32 $0xBB, v0;
	v13 =	vadd.s32 $0xCC, v0;
	v14 =	vadd.s32 $0xDD, v0  }
0xc: {  	s26 =	simm.s32 $0x0;
	s8 =	sand.u32 $0x1, s8;
	[smem:$0x7FF] =	sst s7;
	v15 =	vadd.s32 $0xEE, v0;
	v16 =	vadd.s32 $0xFF, v0;
	v17 =	vor.u32 $0x110, v0  }
0xd: {  	s11 =	sshll.u32 s11, $0x7;
	v18 =	vadd.s32 $0x121, v0;
	v19 =	vadd.s32 $0x132, v0;
	v20 =	vadd.s32 $0x143, v0;
	s9 =	ssub.s32 $0x2, s8;
	s8 =	sshll.u32 s8, $0x6  }
0xe: {  	v21 =	vadd.s32 $0x154, v0;
	v22 =	vadd.s32 $0x165, v0;
	v23 =	vadd.s32 $0x176, v0;
	_ =	strace $0x80000047;
	s10 =	sshrl.u32 s9, $0x1;
	s8 =	sor.u32 s8, s11  }
0xf: {  	v24 =	vadd.s32 $0x187, v0;
	v25 =	vadd.s32 $0x198, v0;
	v26 =	vadd.s32 $0x1A9, v0;
	s12 =	ssub.s32 s9, s10;
	s1 =	sadd.s32 s1, s8;
	s31 =	sadd.s32 s5, s8  }
0x10: {  	v27 =	vadd.s32 $0x1BA, v0;
	v28 =	vadd.s32 $0x1CB, v0;
	v29 =	vadd.s32 $0x1DC, v0;
	s10 =	sadd.s32 s6, s8;
	s8 =	simm.s32 $0xCC80;
	[dreg:$0x9] =	wrdreg s1  }
0x11: {  	v30 =	vadd.s32 $0x1ED, v0;
	v31 =	vadd.s32 $0x1FE, v0;
	v32 =	vadd.s32 $0x20F, v0;
	[dreg:$0xa] =	wrdreg s31;
	s11 =	smax.u32 s12, $0x1;
	s12 =	simm.s32 $0x200  }
.LBB2_1:
0x12: {  	s1 =	rddreg [dreg:$0x9]  }
0x13: {  	[tilespmem:s7], [sflag:$0x3] =	stream.linear.gather [hbm4b:s1+s7], $0x200, $0x38;
	[tilespmem:$0xCD00] =	vst v63  }
0x14: {  	s31 =	rddreg [dreg:$0xa]  }
0x15: {  	[tilespmem:s12], [sflag:$0x3] =	stream.linear.gather [hbm4b:s31+s7], $0x200, $0x38;
	[tilespmem:$0xCD00] =	vst v63  }
0x16: {  	s5 =	rddreg [dreg:$0x6]  }
0x17: {  	[tilespmem:s8], [sflag:$0x4] =	stream.linear.gather [hbm4b:s5+s7], $0x80, $0x38;
	[tilespmem:$0xCD00] =	vst v63  }
0x18: {  	_ =	swait.ge [sflag:s14], $0x80  }
0x19: {  	[sflag:s14] =	ssyncset.done $0x0  }
0x1a: {  	[sflag:s14] =	ssyncadd.s32 $0xFFFFFF80  }
0x1b: {  	_ =	swait.ge [sflag:s15], $0x200  }
0x1c: {  	[sflag:s15] =	ssyncset.done $0x0  }
0x1d: {  	[sflag:s15] =	ssyncadd.s32 $0xFFFFFE00  }
0x1e: {  	_ =	swait.ge [sflag:s15], $0x200  }
0x1f: {  	[sflag:s15] =	ssyncset.done $0x0  }
0x20: {  	s6 =	simm.s32 $0x400;
	[sflag:s15] =	ssyncadd.s32 $0xFFFFFE00  }
0x21: {  	[tilespmem:s6], [sflag:$0x1] =	stream.indirect.gather [hbm4b:s0+s16], $0x80, s7, s16, $0xb8;
	[tilespmem:$0xCD00] =	vst v63  }
0x22: {  	s8 =	simm.s32 $0x6400  }
0x23: {  	[tilespmem:s8], [sflag:$0x1] =	stream.indirect.gather [hbm4b:s2+s16], $0x80, s12, s16, $0xb8;
	[tilespmem:$0xCD00] =	vst v63  }
0x24: {  	s9 =	simm.s32 $0x2400  }
0x25: {  	[tilespmem:s9], [sflag:$0x1] =	stream.indirect.gather [hbm4b:s0+s16], $0x80, s16, s16, $0xb8;
	[tilespmem:$0xCD00] =	vst v63  }
0x26: {  	s13 =	simm.s32 $0x240;
	s5 =	simm.s32 $0x8400  }
0x27: {  	[tilespmem:s5], [sflag:$0x1] =	stream.indirect.gather [hbm4b:s2+s16], $0x80, s13, s16, $0xb8;
	[tilespmem:$0xCD00] =	vst v63  }
0x28: {  	_ = 	snop  }
0x29: {  	[tilespmem:s23], [sflag:$0x2] =	stream.indirect.gather [hbm4b:s3+s22], $0x1, s7, s22, $0xb8;
	[tilespmem:$0xCD00] =	vst v63  }
0x2a: {  	_ = 	snop  }
0x2b: {  	[tilespmem:s24], [sflag:$0x2] =	stream.indirect.gather [hbm4b:s4+s22], $0x1, s12, s22, $0xb8;
	[tilespmem:$0xCD00] =	vst v63  }
0x2c: {  	s17 =	simm.s32 $0xC480  }
0x2d: {  	[tilespmem:s17], [sflag:$0x2] =	stream.indirect.gather [hbm4b:s3+s22], $0x1, s22, s22, $0xb8;
	[tilespmem:$0xCD00] =	vst v63  }
0x2e: {  	s18 =	simm.s32 $0x280;
	s31 =	simm.s32 $0xC680  }
0x2f: {  	[tilespmem:s31], [sflag:$0x2] =	stream.indirect.gather [hbm4b:s4+s22], $0x1, s18, s22, $0xb8;
	[tilespmem:$0xCD00] =	vst v63  }
0x30: {  	s6 =	simm.s32 $0xC500;
	s5 =	simm.s32 $0x100  }
0x31: {  	[tilespmem:s6], [sflag:$0x2] =	stream.indirect.gather [hbm4b:s3+s22], $0x1, s5, s22, $0xb8;
	[tilespmem:$0xCD00] =	vst v63  }
0x32: {  	s28 =	simm.s32 $0x0;
	s8 =	simm.s32 $0x300;
	s9 =	simm.s32 $0xC700  }
0x33: {  	[tilespmem:s9], [sflag:$0x2] =	stream.indirect.gather [hbm4b:s4+s22], $0x1, s8, s22, $0xb8;
	[tilespmem:$0xCD00] =	vst v63  }
0x34: {  	s29 =	simm.s32 $0x0;
	s13 =	simm.s32 $0x180;
	s17 =	simm.s32 $0xC580  }
0x35: {  	[tilespmem:s17], [sflag:$0x2] =	stream.indirect.gather [hbm4b:s3+s22], $0x1, s13, s22, $0xb8;
	[tilespmem:$0xCD00] =	vst v63  }
0x36: {  	s30 =	simm.s32 $0x0;
	s18 =	simm.s32 $0x380;
	s31 =	simm.s32 $0xC780  }
0x37: {  	[tilespmem:s31], [sflag:$0x2] =	stream.indirect.gather [hbm4b:s4+s22], $0x1, s18, s22, $0xb8;
	[tilespmem:$0xCD00] =	vst v63  }
.LBB2_2:
0x38: {  	p0 =	sgt.u32 s30, $0x5  }
0x39: {  	s1 =	sadd.s32 @!p0 $0x2, s30  }
0x3a: {  	s5 =	smul.u32 @!p0 $0xAB, s1;
	_ =	sdelay $0x1  }
0x3b: {  	s5 =	sshrl.u32 @!p0 s5, $0x9  }
0x3c: {  	s5 =	sand.u32 @!p0 $0x7F, s5  }
0x3d: {  	s5 =	smul.u32 @!p0 $0x3, s5;
	_ =	sdelay $0x1  }
0x3e: {  	s5 =	ssub.s32 @!p0 s1, s5  }
0x3f: {  	s5 =	sand.u32 @!p0 $0xFF, s5  }
0x40: {  	s5 =	sshll.u32 @!p0 s5, $0xD  }
0x41: {  	s8 =	simm.s32 @!p0 $0x40;
	s1 =	sshll.u32 @!p0 s1, $0x6;
	s6 =	sor.u32 @!p0 $0x400, s5  }
0x42: {  	[tilespmem:s6], [sflag:$0x1] =	stream.indirect.gather @!p0 [hbm4b:s0+s8], $0x80, s1, s8, $0xb8;
	[tilespmem:$0xCD00] =	vst v63  }
0x43: {  	s17 =	sand.u32 $0xFF, s28;
	s5 =	sadd.s32 @!p0 $0x6400, s5;
	s1 =	sadd.s32 @!p0 $0x200, s1  }
0x44: {  	[tilespmem:s5], [sflag:$0x1] =	stream.indirect.gather @!p0 [hbm4b:s2+s8], $0x80, s1, s8, $0xb8;
	[tilespmem:$0xCD00] =	vst v63  }
0x45: {  	s18 =	smul.u32 $0xAB, s17;
	_ =	swait.ge [sflag:s19], $0x2000  }
0x46: {  	[sflag:s19] =	ssyncset.done $0x0  }
0x47: {  	s1 =	sshrl.u32 s18, $0x3;
	[sflag:s19] =	ssyncadd.s32 $0xFFFFE000  }
0x48: {  	p1 =	por $0x1, $0x1;
	s1 =	sand.u32 $0xC0, s1;
	_ =	swait.ge [sflag:s19], $0x2000  }
0x49: {  	s6 =	simm.s32 $0x0;
	s1 =	sadd.s32 s1, s29;
	[sflag:s19] =	ssyncset.done $0x0  }
0x4a: {  	s31 =	sand.u32 $0xFF, s1;
	s1 =	sshll.u32 s30, $0x6;
	[sflag:s19] =	ssyncadd.s32 $0xFFFFE000  }
.LBB2_3:
0x4b: {  	s5 =	sadd.s32 s6, s31  }
0x4c: {  	s5 =	sshll.u32 s5, $0x7  }
0x4d: {  	s5 =	sand.u32 $0x3FFFFF80, s5  }
0x4e: {  	s18 =	sadd.s32 $0x480, s5  }
0x4f: {  	s13 =	sadd.s32 $0x6480, s5;
	v33 =	vld [tilespmem:s18+$0x0]  }
0x50: {  	v34 =	vld [tilespmem:s13+$0x0]  }
0x51: {  	v35 =	vld [tilespmem:s18+$0x10]  }
0x52: {  	v37 =	vld [tilespmem:s13+$0x10]  }
0x53: {  	v36 =	vld [tilespmem:s18+$0x20]  }
0x54: {  	v38 =	vld [tilespmem:s13+$0x20]  }
0x55: {  	v39 =	vld [tilespmem:s18+$0x30]  }
0x56: {  	v40 =	vld [tilespmem:s13+$0x30]  }
0x57: {  	v41 =	vld [tilespmem:s18+$0x40]  }
0x58: {  	v42 =	vld [tilespmem:s13+$0x40]  }
0x59: {  	v43 =	vld [tilespmem:s18+$0x50]  }
0x5a: {  	v45 =	vld [tilespmem:s13+$0x50]  }
0x5b: {  	v44 =	vld [tilespmem:s18+$0x60]  }
0x5c: {  	v46 =	vld [tilespmem:s13+$0x60]  }
0x5d: {  	v47 =	vld [tilespmem:s18+$0x70]  }
0x5e: {  	p0 =	por p1, p1;
	s8 =	simm.s32 $0x2;
	s17 =	simm.s32 $0x0;
	v48 =	vld [tilespmem:s13+$0x70]  }
.LBB2_4:
0x5f: {  	p1 =	slt.u32 s8, $0xE;
	v49 =	vld [tilespmem:s13+$0xFFFFFF80]  }
0x60: {  	v33 =	vmul.f32 v34, v33;
	v34 =	vmul.f32 v37, v35;
	v50 =	vld [tilespmem:s18+$0xFFFFFF90]  }
0x61: {  	v36 =	vmul.f32 v38, v36;
	v37 =	vmul.f32 v40, v39;
	v35 =	vld [tilespmem:s13+$0xFFFFFF90]  }
0x62: {  	v39 =	vmul.f32 v42, v41;
	v40 =	vmul.f32 v45, v43;
	v38 =	vld [tilespmem:s18+$0xFFFFFFA0]  }
0x63: {  	v42 =	vmul.f32 v46, v44;
	v41 =	vld [tilespmem:s13+$0xFFFFFFA0];
	v43 =	vmul.f32 v48, v47  }
0x64: {  	v33 =	vadd.f32 v34, v33;
	v34 =	vadd.f32 v37, v36;
	v44 =	vld [tilespmem:s18+$0xFFFFFFB0]  }
0x65: {  	s9 =	sadd.s32 $0x1, s17;
	v37 =	vadd.f32 v40, v39;
	v36 =	vld [tilespmem:s13+$0xFFFFFFB0];
	v39 =	vadd.f32 v43, v42  }
0x66: {  	v42 =	vadd.s32 s9, v1;
	v40 =	vmul.f32 v35, v50;
	v35 =	vld [tilespmem:s18+$0xFFFFFFC0]  }
0x67: {  	v33 =	vadd.f32 v34, v33;
	v43 =	vld [tilespmem:s13+$0xFFFFFFC0];
	v34 =	vadd.f32 v39, v37  }
0x68: {  	v37 =	vmul.f32 v41, v38;
	v38 =	vld [tilespmem:s18+$0xFFFFFFD0]  }
0x69: {  	v39 =	vld [tilespmem:s13+$0xFFFFFFD0];
	v33 =	vadd.f32 v34, v33  }
0x6a: {  	v34 =	vmul.f32 v36, v44;
	v36 =	vld [tilespmem:s18+$0xFFFFFFE0]  }
0x6b: {  	v41 =	vld [tilespmem:s13+$0xFFFFFFE0];
	[tilespmem:v42+s20+$0x0] =	vst.idx.msk $0xffff, v33  }
0x6c: {  	v35 =	vmul.f32 v43, v35;
	v42 =	vld [tilespmem:s18+$0xFFFFFFF0];
	v43 =	vadd.f32 v34, v37  }
0x6d: {  	v44 =	vld [tilespmem:s13+$0xFFFFFFF0]  }
0x6e: {  	v45 =	vld [tilespmem:s18+$0xFFFFFF80];
	v37 =	vmul.f32 v39, v38;
	s18 =	sadd.s32 $0x100, s18  }
0x6f: {  	s13 =	sadd.s32 $0x100, s13;
	v33 =	vld [tilespmem:s18+$0x0]  }
0x70: {  	v34 =	vld [tilespmem:s13+$0x0];
	v39 =	vmul.f32 v41, v36;
	v41 =	vadd.f32 v37, v35  }
0x71: {  	v35 =	vld [tilespmem:s18+$0x10]  }
0x72: {  	v37 =	vld [tilespmem:s13+$0x10];
	v42 =	vmul.f32 v44, v42  }
0x73: {  	v36 =	vld [tilespmem:s18+$0x20];
	v44 =	vmul.f32 v49, v45  }
0x74: {  	v38 =	vld [tilespmem:s13+$0x20];
	v42 =	vadd.f32 v42, v39  }
0x75: {  	v39 =	vld [tilespmem:s18+$0x30];
	v44 =	vadd.f32 v40, v44  }
0x76: {  	v46 =	vadd.s32 s17, v1;
	s17 =	smov.u32 s8;
	v40 =	vld [tilespmem:s13+$0x30];
	v45 =	vadd.f32 v42, v41  }
0x77: {  	v41 =	vld [tilespmem:s18+$0x40];
	v44 =	vadd.f32 v43, v44  }
0x78: {  	v42 =	vld [tilespmem:s13+$0x40]  }
0x79: {  	v43 =	vld [tilespmem:s18+$0x50];
	v47 =	vadd.f32 v45, v44  }
.Ltmp0:
0x7a: {  	v45 =	vld [tilespmem:s13+$0x50];
	(pc) =	sbr.rel @p1 .LBB2_4-.Ltmp0, $4  }
0x7b: {  	v44 =	vld [tilespmem:s18+$0x60];
	[tilespmem:v46+s20+$0x0] =	vst.idx.msk $0xffff, v47  }
0x7c: {  	v46 =	vld [tilespmem:s13+$0x60]  }
0x7d: {  	v47 =	vld [tilespmem:s18+$0x70]  }
0x7e: {  	s8 =	sadd.s32 $0x2, s8;
	v48 =	vld [tilespmem:s13+$0x70]  }
0x7f: {  	v49 =	vld [tilespmem:s13+$0xFFFFFF80]  }
0x80: {  	v50 =	vld [tilespmem:s18+$0xFFFFFF90]  }
0x81: {  	v51 =	vld [tilespmem:s13+$0xFFFFFF90]  }
0x82: {  	v52 =	vld [tilespmem:s18+$0xFFFFFFA0]  }
0x83: {  	v53 =	vld [tilespmem:s13+$0xFFFFFFA0]  }
0x84: {  	v54 =	vld [tilespmem:s18+$0xFFFFFFB0]  }
0x85: {  	v55 =	vld [tilespmem:s13+$0xFFFFFFB0]  }
0x86: {  	v56 =	vld [tilespmem:s18+$0xFFFFFFC0]  }
0x87: {  	v57 =	vld [tilespmem:s13+$0xFFFFFFC0]  }
0x88: {  	v58 =	vld [tilespmem:s18+$0xFFFFFFD0]  }
0x89: {  	v59 =	vld [tilespmem:s13+$0xFFFFFFD0]  }
0x8a: {  	v63 =	vmul.f32 v40, v39;
	v39 =	vmul.f32 v42, v41;
	v41 =	vld [tilespmem:s18+$0xFFFFFF80]  }
0x8b: {  	v60 =	vld [tilespmem:s18+$0xFFFFFFE0]  }
0x8c: {  	v61 =	vld [tilespmem:s13+$0xFFFFFFE0];
	v33 =	vmul.f32 v34, v33;
	v62 =	vmul.f32 v37, v35  }
0x8d: {  	v35 =	vld [tilespmem:s18+$0xFFFFFFF0];
	v36 =	vmul.f32 v38, v36;
	s8 =	sadd.s32 $0x1, s17  }
0x8e: {  	v38 =	vld [tilespmem:s13+$0xFFFFFFF0];
	v33 =	vadd.f32 v62, v33;
	v62 =	vmul.f32 v53, v52;
	v53 =	vadd.s32 s8, v1;
	s8 =	sadd.s32 $0xCF0, s5  }
0x8f: {  	v40 =	vmul.f32 v45, v43;
	v52 =	vmul.f32 v49, v41;
	s5 =	sadd.s32 $0x6CF0, s5;
	v49 =	vld [tilespmem:s8+$0xFFFFFF90]  }
0x90: {  	v43 =	vmul.f32 v48, v47;
	v48 =	vmul.f32 v57, v56;
	v56 =	vld [tilespmem:s5+$0xFFFFFFC0]  }
0x91: {  	v57 =	vld [tilespmem:s8+$0xFFFFFFD0]  }
0x92: {  	v34 =	vmul.f32 v51, v50;
	v50 =	vmul.f32 v59, v58;
	v58 =	vld [tilespmem:s5+$0xFFFFFFD0]  }
0x93: {  	v59 =	vld [tilespmem:s8+$0xFFFFFFE0]  }
0x94: {  	v51 =	vmul.f32 v61, v60;
	v60 =	vld [tilespmem:s5+$0xFFFFFFE0]  }
0x95: {  	v42 =	vmul.f32 v46, v44;
	v36 =	vadd.f32 v63, v36;
	v35 =	vmul.f32 v38, v35;
	v61 =	vld [tilespmem:s8+$0xFFFFFFF0]  }
0x96: {  	v39 =	vadd.f32 v40, v39;
	v63 =	vmul.f32 v55, v54;
	v40 =	vadd.f32 v50, v48;
	v50 =	vld [tilespmem:s5+$0xFFFFFF90]  }
0x97: {  	v42 =	vadd.f32 v43, v42;
	v35 =	vadd.f32 v35, v51;
	v51 =	vld [tilespmem:s8+$0xFFFFFFA0]  }
0x98: {  	v37 =	vadd.f32 v63, v62;
	v34 =	vadd.f32 v34, v52;
	v52 =	vld [tilespmem:s5+$0xFFFFFFA0]  }
0x99: {  	v33 =	vadd.f32 v36, v33;
	v55 =	vadd.s32 s17, v1;
	v62 =	vld [tilespmem:s5+$0xFFFFFFF0];
	v54 =	vadd.f32 v42, v39  }
0x9a: {  	v63 =	vld [tilespmem:s8+$0x0];
	v35 =	vadd.f32 v35, v40;
	v34 =	vadd.f32 v37, v34  }
0x9b: {  	v33 =	vadd.f32 v54, v33;
	v54 =	vld [tilespmem:s5+$0xFFFFFFB0]  }
0x9c: {  	v34 =	vadd.f32 v35, v34;
	v58 =	vmul.f32 v58, v57;
	v57 =	vld [tilespmem:s5+$0xFFFFFF50]  }
0x9d: {  	[tilespmem:v53+s20+$0x0] =	vst.idx.msk $0xffff, v33;
	v53 =	vld [tilespmem:s8+$0xFFFFFFB0]  }
0x9e: {  	[tilespmem:v55+s20+$0x0] =	vst.idx.msk $0xffff, v34;
	v55 =	vld [tilespmem:s8+$0xFFFFFFC0]  }
0x9f: {  	v33 =	vld.idx.msk [tilespmem:v0+s20+$0x0], $0xffff  }
0xa0: {  	v34 =	vld.idx.msk [tilespmem:v2+s20+$0x0], $0xffff  }
0xa1: {  	v35 =	vld.idx.msk [tilespmem:v3+s20+$0x0], $0xffff  }
0xa2: {  	v36 =	vld.idx.msk [tilespmem:v4+s20+$0x0], $0xffff  }
0xa3: {  	v37 =	vld.idx.msk [tilespmem:v5+s20+$0x0], $0xffff  }
0xa4: {  	v38 =	vld.idx.msk [tilespmem:v6+s20+$0x0], $0xffff  }
0xa5: {  	v39 =	vld.idx.msk [tilespmem:v7+s20+$0x0], $0xffff  }
0xa6: {  	v40 =	vld.idx.msk [tilespmem:v8+s20+$0x0], $0xffff  }
0xa7: {  	v41 =	vld.idx.msk [tilespmem:v9+s20+$0x0], $0xffff  }
0xa8: {  	v42 =	vld.idx.msk [tilespmem:v10+s20+$0x0], $0xffff  }
0xa9: {  	v43 =	vld.idx.msk [tilespmem:v11+s20+$0x0], $0xffff  }
0xaa: {  	v44 =	vld.idx.msk [tilespmem:v12+s20+$0x0], $0xffff  }
0xab: {  	v45 =	vld.idx.msk [tilespmem:v13+s20+$0x0], $0xffff  }
0xac: {  	v46 =	vld.idx.msk [tilespmem:v14+s20+$0x0], $0xffff  }
0xad: {  	v47 =	vld.idx.msk [tilespmem:v15+s20+$0x0], $0xffff  }
0xae: {  	v48 =	vld.idx.msk [tilespmem:v16+s20+$0x0], $0xffff  }
0xaf: {  	v56 =	vmul.f32 v56, v55;
	v55 =	vld [tilespmem:s8+$0xFFFFFF50]  }
0xb0: {  	v35 =	vadd.f32 v36, v35;
	v36 =	vld [tilespmem:s5+$0x0]  }
0xb1: {  	v34 =	vadd.f32 v34, v33;
	v37 =	vadd.f32 v38, v37;
	v33 =	vld [tilespmem:s5+$0xFFFFFF10]  }
0xb2: {  	v60 =	vmul.f32 v60, v59;
	v38 =	vadd.f32 v40, v39;
	v39 =	vadd.f32 v42, v41;
	v41 =	vld [tilespmem:s8+$0xFFFFFF20]  }
0xb3: {  	v62 =	vmul.f32 v62, v61;
	v40 =	vadd.f32 v44, v43;
	v42 =	vadd.f32 v46, v45;
	v44 =	vld [tilespmem:s5+$0xFFFFFF20]  }
0xb4: {  	v43 =	vadd.f32 v48, v47;
	v45 =	vmul.f32 v52, v51;
	v46 =	vld [tilespmem:s8+$0xFFFFFF30];
	v34 =	vadd.f32 v35, v34  }
0xb5: {  	v48 =	vld [tilespmem:s5+$0xFFFFFF30];
	v35 =	vmul.f32 v50, v49;
	v37 =	vadd.f32 v38, v37;
	v38 =	vmul.f32 v54, v53  }
0xb6: {  	v39 =	vadd.f32 v40, v39;
	v50 =	vld [tilespmem:s8+$0xFFFFFF40];
	v42 =	vadd.f32 v43, v42;
	v36 =	vmul.f32 v36, v63  }
0xb7: {  	s9 =	sor.u32 s1, s6;
	v54 =	vld [tilespmem:s5+$0xFFFFFF40];
	v40 =	vadd.f32 v60, v58;
	v35 =	vadd.f32 v45, v35  }
0xb8: {  	s18 =	simm.s32 $0x111;
	v60 =	vld [tilespmem:s8+$0xFFFFFF60];
	v38 =	vadd.f32 v56, v38;
	v56 =	vor.u32 s9, v0;
	v36 =	vadd.f32 v36, v62  }
0xb9: {  	v59 =	vadd.s32 s18, v1;
	v34 =	vadd.f32 v37, v34;
	v58 =	vadd.f32 v42, v39;
	v62 =	vld [tilespmem:s5+$0xFFFFFF60]  }
0xba: {  	v37 =	vld [tilespmem:s5+$0xFFFFFF70];
	v35 =	vadd.f32 v38, v35;
	v61 =	vadd.f32 v36, v40  }
0xbb: {  	v34 =	vadd.f32 v58, v34;
	v36 =	vld [tilespmem:s8+$0xFFFFFF70]  }
0xbc: {  	v39 =	vld [tilespmem:s5+$0xFFFFFF80];
	v46 =	vmul.f32 v48, v46;
	v63 =	vmul.f32 v54, v50;
	v35 =	vadd.f32 v61, v35  }
0xbd: {  	s6 =	sor.u32 $0x10, s6;
	v38 =	vld [tilespmem:s8+$0xFFFFFF80];
	[tilespmem:v56+s21+$0x0] =	vst.idx.msk $0xffff, v34;
	v34 =	vmul.f32 v44, v41;
	v40 =	vmul.f32 v57, v55  }
0xbe: {  	s13 =	simm.s32 $0xFFFFFFFE;
	s17 =	simm.s32 $0x0;
	v41 =	vld [tilespmem:s8+$0xFFFFFF10];
	s8 =	sadd.s32 $0x100, s8;
	v42 =	vmul.f32 v62, v60;
	[tilespmem:v59+s20+$0x0] =	vst.idx.msk $0xffff, v35;
	v35 =	vadd.f32 v63, v46  }
.LBB2_6:
0xbf: {  	v43 =	vld [tilespmem:s8+$0xFFFFFF90];
	s5 =	sadd.s32 $0x100, s5  }
0xc0: {  	v44 =	vld [tilespmem:s5+$0xFFFFFF90];
	v36 =	vmul.f32 v37, v36;
	v37 =	vadd.f32 v42, v40  }
0xc1: {  	v40 =	vld [tilespmem:s8+$0xFFFFFFA0]  }
0xc2: {  	v42 =	vld [tilespmem:s5+$0xFFFFFFA0];
	v38 =	vmul.f32 v39, v38  }
0xc3: {  	v39 =	vld [tilespmem:s8+$0xFFFFFFB0];
	v33 =	vmul.f32 v33, v41  }
0xc4: {  	v41 =	vld [tilespmem:s5+$0xFFFFFFB0];
	v36 =	vadd.f32 v38, v36  }
0xc5: {  	s9 =	sadd.s32 $0x112, s13;
	s13 =	smov.u32 s17;
	v38 =	vld [tilespmem:s8+$0xFFFFFFC0];
	v33 =	vadd.f32 v34, v33  }
0xc6: {  	v34 =	vld [tilespmem:s5+$0xFFFFFFC0];
	v36 =	vadd.f32 v36, v37;
	v37 =	vadd.s32 s9, v1  }
0xc7: {  	v45 =	vld [tilespmem:s8+$0xFFFFFFD0];
	v33 =	vadd.f32 v35, v33  }
0xc8: {  	v35 =	vld [tilespmem:s5+$0xFFFFFFD0]  }
0xc9: {  	v46 =	vld [tilespmem:s8+$0xFFFFFFE0];
	v33 =	vadd.f32 v36, v33  }
0xca: {  	v36 =	vld [tilespmem:s5+$0xFFFFFFE0]  }
0xcb: {  	v47 =	vld [tilespmem:s8+$0xFFFFFFF0];
	[tilespmem:v37+s20+$0x0] =	vst.idx.msk $0xffff, v33  }
0xcc: {  	v37 =	vld [tilespmem:s5+$0xFFFFFFF0]  }
0xcd: {  	v48 =	vld [tilespmem:s8+$0x0]  }
0xce: {  	s17 =	sadd.s32 $0x2, s17;
	v49 =	vld [tilespmem:s5+$0x0]  }
0xcf: {  	p1 =	slt.u32 s17, $0xE;
	v33 =	vld [tilespmem:s5+$0xFFFFFF10]  }
0xd0: {  	v43 =	vmul.f32 v44, v43;
	v40 =	vmul.f32 v42, v40;
	v50 =	vld [tilespmem:s8+$0xFFFFFF20]  }
0xd1: {  	v39 =	vmul.f32 v41, v39;
	v34 =	vmul.f32 v34, v38;
	v42 =	vld [tilespmem:s5+$0xFFFFFF20]  }
0xd2: {  	v35 =	vmul.f32 v35, v45;
	v36 =	vmul.f32 v36, v46;
	v38 =	vld [tilespmem:s8+$0xFFFFFF30]  }
0xd3: {  	v37 =	vmul.f32 v37, v47;
	v41 =	vld [tilespmem:s5+$0xFFFFFF30];
	v44 =	vmul.f32 v49, v48  }
0xd4: {  	v40 =	vadd.f32 v40, v43;
	v39 =	vadd.f32 v34, v39;
	v45 =	vld [tilespmem:s8+$0xFFFFFF40]  }
0xd5: {  	s9 =	sadd.s32 $0x113, s13;
	v35 =	vadd.f32 v36, v35;
	v43 =	vld [tilespmem:s5+$0xFFFFFF40];
	v36 =	vadd.f32 v44, v37  }
0xd6: {  	v44 =	vadd.s32 s9, v1;
	v34 =	vmul.f32 v42, v50;
	v42 =	vld [tilespmem:s8+$0xFFFFFF50]  }
0xd7: {  	v37 =	vadd.f32 v39, v40;
	v46 =	vld [tilespmem:s5+$0xFFFFFF50];
	v35 =	vadd.f32 v36, v35  }
0xd8: {  	v39 =	vmul.f32 v41, v38;
	v47 =	vld [tilespmem:s8+$0xFFFFFF60]  }
0xd9: {  	v48 =	vld [tilespmem:s5+$0xFFFFFF60];
	v35 =	vadd.f32 v35, v37  }
.Ltmp1:
0xda: {  	v41 =	vmul.f32 v43, v45;
	v36 =	vld [tilespmem:s8+$0xFFFFFF70];
	(pc) =	sbr.rel @p1 .LBB2_6-.Ltmp1, $4  }
0xdb: {  	v37 =	vld [tilespmem:s5+$0xFFFFFF70];
	[tilespmem:v44+s20+$0x0] =	vst.idx.msk $0xffff, v35  }
0xdc: {  	v40 =	vmul.f32 v46, v42;
	v38 =	vld [tilespmem:s8+$0xFFFFFF80];
	v35 =	vadd.f32 v41, v39  }
0xdd: {  	v39 =	vld [tilespmem:s5+$0xFFFFFF80]  }
0xde: {  	v41 =	vld [tilespmem:s8+$0xFFFFFF10];
	v42 =	vmul.f32 v48, v47;
	s8 =	sadd.s32 $0x100, s8  }
0xdf: {  	_ =	sdelay $0x2  }
0xe0: {  	v36 =	vmul.f32 v37, v36  }
0xe1: {  	v53 =	vmul.f32 v39, v38;
	v33 =	vmul.f32 v33, v41  }
0xe2: {  	v54 =	vadd.f32 v42, v40  }
0xe3: {  	s5 =	sadd.s32 $0x112, s13;
	v36 =	vadd.f32 v53, v36;
	v33 =	vadd.f32 v34, v33  }
0xe4: {  	v55 =	vadd.s32 s5, v1  }
0xe5: {  	v36 =	vadd.f32 v36, v54;
	v33 =	vadd.f32 v35, v33;
	_ =	sdelay $0x1  }
0xe6: {  	v33 =	vadd.f32 v36, v33;
	_ =	sdelay $0x1  }
0xe7: {  	[tilespmem:v55+s20+$0x0] =	vst.idx.msk $0xffff, v33  }
0xe8: {  	v33 =	vld.idx.msk [tilespmem:v17+s20+$0x0], $0xffff  }
0xe9: {  	v34 =	vld.idx.msk [tilespmem:v18+s20+$0x0], $0xffff  }
0xea: {  	v56 =	vld.idx.msk [tilespmem:v19+s20+$0x0], $0xffff  }
0xeb: {  	v57 =	vld.idx.msk [tilespmem:v20+s20+$0x0], $0xffff  }
0xec: {  	v58 =	vld.idx.msk [tilespmem:v21+s20+$0x0], $0xffff  }
0xed: {  	v59 =	vld.idx.msk [tilespmem:v22+s20+$0x0], $0xffff  }
0xee: {  	v60 =	vld.idx.msk [tilespmem:v23+s20+$0x0], $0xffff  }
0xef: {  	v61 =	vld.idx.msk [tilespmem:v24+s20+$0x0], $0xffff  }
0xf0: {  	v62 =	vld.idx.msk [tilespmem:v25+s20+$0x0], $0xffff  }
0xf1: {  	v63 =	vld.idx.msk [tilespmem:v26+s20+$0x0], $0xffff  }
0xf2: {  	v43 =	vld.idx.msk [tilespmem:v27+s20+$0x0], $0xffff  }
0xf3: {  	v44 =	vld.idx.msk [tilespmem:v28+s20+$0x0], $0xffff  }
0xf4: {  	v45 =	vld.idx.msk [tilespmem:v29+s20+$0x0], $0xffff  }
0xf5: {  	v46 =	vld.idx.msk [tilespmem:v30+s20+$0x0], $0xffff  }
0xf6: {  	v47 =	vld.idx.msk [tilespmem:v31+s20+$0x0], $0xffff  }
0xf7: {  	v48 =	vld.idx.msk [tilespmem:v32+s20+$0x0], $0xffff;
	_ =	sdelay $0x1  }
0xf8: {  	v33 =	vadd.f32 v34, v33;
	v52 =	vadd.f32 v57, v56  }
0xf9: {  	v53 =	vadd.f32 v59, v58;
	v54 =	vadd.f32 v61, v60  }
0xfa: {  	v55 =	vadd.f32 v63, v62;
	v56 =	vadd.f32 v44, v43  }
0xfb: {  	v57 =	vadd.f32 v46, v45;
	v58 =	vadd.f32 v48, v47  }
0xfc: {  	v33 =	vadd.f32 v52, v33;
	v59 =	vadd.f32 v54, v53  }
0xfd: {  	s18 =	sor.u32 s1, s6;
	v60 =	vadd.f32 v56, v55;
	v61 =	vadd.f32 v58, v57  }
0xfe: {  	v62 =	vor.u32 s18, v0  }
.Ltmp2:
0xff: {  	v33 =	vadd.f32 v59, v33;
	v63 =	vadd.f32 v61, v60;
	(pc) =	sbr.rel @p0 .LBB2_3-.Ltmp2, $3  }
0x100: {  	_ = 	snop  }
0x101: {  	v33 =	vadd.f32 v63, v33;
	_ =	sdelay $0x1  }
0x102: {  	s6 =	simm.s32 $0x20;
	p1 =	por $0x0, $0x0;
	[tilespmem:v62+s21+$0x0] =	vst.idx.msk $0xffff, v33  }
0x103: {  	s30 =	sadd.s32 $0x1, s30  }
0x104: {  	p0 =	sne.s32 s30, $0x8  }
.Ltmp3:
0x105: {  	_ = 	snop;
	(pc) =	sbr.rel @p0 .LBB2_2-.Ltmp3, $2  }
0x106: {  	_ =	sdelay $0x2  }
0x107: {  	s29 =	sadd.s32 $0x40, s29;
	s28 =	sadd.s32 $0x1, s28  }
0x108: {  	_ =	swait.ge [sflag:s25], $0x80  }
0x109: {  	[sflag:s25] =	ssyncset.done $0x0  }
0x10a: {  	[sflag:s25] =	ssyncadd.s32 $0xFFFFFF80  }
0x10b: {  	_ =	swait.ge [sflag:s25], $0x80  }
0x10c: {  	[sflag:s25] =	ssyncset.done $0x0  }
0x10d: {  	[sflag:s25] =	ssyncadd.s32 $0xFFFFFF80  }
0x10e: {  	_ =	swait.ge [sflag:s25], $0x80  }
0x10f: {  	[sflag:s25] =	ssyncset.done $0x0  }
0x110: {  	[sflag:s25] =	ssyncadd.s32 $0xFFFFFF80  }
0x111: {  	_ =	swait.ge [sflag:s25], $0x80  }
0x112: {  	[sflag:s25] =	ssyncset.done $0x0  }
0x113: {  	[sflag:s25] =	ssyncadd.s32 $0xFFFFFF80  }
0x114: {  	_ =	swait.ge [sflag:s25], $0x80  }
0x115: {  	[sflag:s25] =	ssyncset.done $0x0  }
0x116: {  	[sflag:s25] =	ssyncadd.s32 $0xFFFFFF80  }
0x117: {  	_ =	swait.ge [sflag:s25], $0x80  }
0x118: {  	[sflag:s25] =	ssyncset.done $0x0  }
0x119: {  	[sflag:s25] =	ssyncadd.s32 $0xFFFFFF80  }
0x11a: {  	s1 =	simm.s32 $0x10;
	_ =	swait.ge [sflag:s25], $0x80  }
0x11b: {  	s5 =	simm.s32 $0x0;
	v33 =	vor.u32 s1, v0;
	[sflag:s25] =	ssyncset.done $0x0  }
0x11c: {  	v50 =	vor.u32 s5, v0;
	[sflag:s25] =	ssyncadd.s32 $0xFFFFFF80  }
0x11d: {  	_ =	swait.ge [sflag:s25], $0x80  }
0x11e: {  	[sflag:s25] =	ssyncset.done $0x0  }
0x11f: {  	[sflag:s25] =	ssyncadd.s32 $0xFFFFFF80  }
0x120: {  	v36 =	vld.idx.msk [tilespmem:v33+s21+$0x0], $0xffff  }
0x121: {  	v37 =	vld.idx.msk [tilespmem:v50+s21+$0x0], $0xffff  }
0x122: {  	v38 =	vld.idx.msk [tilespmem:v50+s23+$0x0], $0xffff  }
0x123: {  	v39 =	vld.idx.msk [tilespmem:v33+s23+$0x0], $0xffff  }
0x124: {  	s8 =	simm.s32 $0xCC80;
	s5 =	simm.s32 $0x30;
	v41 =	vld.idx.msk [tilespmem:v50+s24+$0x0], $0xffff  }
0x125: {  	s6 =	simm.s32 $0x20;
	v34 =	vor.u32 s5, v0;
	v40 =	vld.msk [tilespmem:s8+$0x0], $0xffff  }
0x126: {  	v35 =	vor.u32 s6, v0;
	v42 =	vld.idx.msk [tilespmem:v33+s24+$0x0], $0xffff  }
0x127: {  	v37 =	vadd.f32 v38, v37;
	_ =	sdelay $0x1  }
0x128: {  	v36 =	vadd.f32 v39, v36;
	v37 =	vadd.f32 v41, v37  }
0x129: {  	v55 =	vld.idx.msk [tilespmem:v34+s21+$0x0], $0xffff  }
0x12a: {  	s9 =	simm.s32 $0x50;
	v56 =	vld.idx.msk [tilespmem:v35+s21+$0x0], $0xffff;
	v42 =	vadd.f32 v42, v36;
	v37 =	vadd.f32 v37, v40  }
0x12b: {  	s13 =	simm.s32 $0x40;
	v57 =	vld.idx.msk [tilespmem:v35+s23+$0x0], $0xffff;
	v36 =	vor.u32 s9, v0  }
0x12c: {  	v43 =	vld.idx.msk [tilespmem:v34+s23+$0x0], $0xffff;
	v42 =	vadd.f32 v42, v40;
	v45 =	vsub.f32 $0.0e+00, v37;
	v37 =	vor.u32 s13, v0  }
0x12d: {  	v44 =	vld.idx.msk [tilespmem:v35+s24+$0x0], $0xffff  }
0x12e: {  	v46 =	vld.idx.msk [tilespmem:v34+s24+$0x0], $0xffff;
	v42 =	vsub.f32 $0.0e+00, v42;
	v45 =	vmul.f32 $1.442695020e+00, v45;
	_ =	sdelay $0x1  }
0x12f: {  	v39 =	vadd.f32 v57, v56;
	v59 =	vld.idx.msk [tilespmem:v36+s21+$0x0], $0xffff;
	v58 =	vmul.f32 $1.442695020e+00, v42;
	(erf) = vpow2.f32 v45  }
0x130: {  	s17 =	simm.s32 $0x70;
	v43 =	vadd.f32 v43, v55;
	v60 =	vld.idx.msk [tilespmem:v37+s21+$0x0], $0xffff  }
0x131: {  	s18 =	simm.s32 $0x60;
	v38 =	vor.u32 s17, v0;
	v44 =	vadd.f32 v44, v39;
	(erf) = vpow2.f32 v58;
	v61 =	vld.idx.msk [tilespmem:v37+s23+$0x0], $0xffff  }
0x132: {  	v43 =	vadd.f32 v46, v43;
	v39 =	vor.u32 s18, v0;
	v62 =	vld.idx.msk [tilespmem:v36+s23+$0x0], $0xffff  }
0x133: {  	v44 =	vadd.f32 v44, v40;
	v47 =	vld.idx.msk [tilespmem:v37+s24+$0x0], $0xffff  }
0x134: {  	v43 =	vadd.f32 v43, v40  }
0x135: {  	v44 =	vsub.f32 $0.0e+00, v44;
	v48 =	vld.idx.msk [tilespmem:v36+s24+$0x0], $0xffff  }
0x136: {  	s28 =	simm.s32 $0x90;
	v49 =	vld.idx.msk [tilespmem:v38+s21+$0x0], $0xffff;
	v43 =	vsub.f32 $0.0e+00, v43;
	v45 =	vadd.f32 v61, v60  }
0x137: {  	v41 =	vor.u32 s28, v0;
	v51 =	vld.idx.msk [tilespmem:v39+s21+$0x0], $0xffff;
	v44 =	vmul.f32 $1.442695020e+00, v44  }
0x138: {  	v52 =	vld.idx.msk [tilespmem:v39+s23+$0x0], $0xffff;
	v43 =	vmul.f32 $1.442695020e+00, v43;
	v46 =	vadd.f32 v62, v59;
	v45 =	vadd.f32 v47, v45;
	v63 =	vpop (erf)  }
0x139: {  	v53 =	vld.idx.msk [tilespmem:v38+s23+$0x0], $0xffff;
	(erf) = vpow2.f32 v44;
	v44 =	vadd.f32 $1.000000000e+00, v63  }
0x13a: {  	s29 =	simm.s32 $0x80;
	v55 =	vld.idx.msk [tilespmem:v39+s24+$0x0], $0xffff;
	(erf) = vpow2.f32 v43;
	v46 =	vadd.f32 v48, v46;
	v56 =	vpop (erf);
	v58 =	vadd.f32 v45, v40  }
0x13b: {  	v57 =	vld.idx.msk [tilespmem:v38+s24+$0x0], $0xffff;
	v42 =	vor.u32 s29, v0;
	v47 =	vadd.f32 $1.000000000e+00, v56;
	(erf) = vrcp.f32 v44  }
0x13c: {  	v54 =	vld.idx.msk [tilespmem:v41+s23+$0x0], $0xffff;
	v59 =	vadd.f32 v46, v40;
	v44 =	vsub.f32 $0.0e+00, v58  }
0x13d: {  	v60 =	vadd.f32 v52, v51;
	v51 =	vld.idx.msk [tilespmem:v41+s21+$0x0], $0xffff;
	(erf) = vrcp.f32 v47  }
0x13e: {  	v45 =	vsub.f32 $0.0e+00, v59;
	v62 =	vmul.f32 $1.442695020e+00, v44  }
0x13f: {  	v61 =	vadd.f32 v53, v49;
	v46 =	vadd.f32 v55, v60  }
0x140: {  	s30 =	simm.s32 $0xB0;
	v49 =	vld.idx.msk [tilespmem:v42+s21+$0x0], $0xffff;
	v45 =	vmul.f32 $1.442695020e+00, v45;
	(erf) = vpow2.f32 v62  }
0x141: {  	s31 =	simm.s32 $0xA0;
	v43 =	vor.u32 s30, v0;
	v63 =	vld.idx.msk [tilespmem:v42+s23+$0x0], $0xffff;
	v46 =	vadd.f32 v46, v40;
	v47 =	vadd.f32 v57, v61  }
0x142: {  	v59 =	vpop (erf);
	v52 =	vadd.f32 v54, v51;
	v44 =	vor.u32 s31, v0;
	(erf) = vpow2.f32 v45  }
0x143: {  	v55 =	vld.idx.msk [tilespmem:v42+s24+$0x0], $0xffff;
	v60 =	vadd.f32 $1.000000000e+00, v59;
	v61 =	vpop (erf);
	v47 =	vadd.f32 v47, v40  }
0x144: {  	v48 =	vld.idx.msk [tilespmem:v41+s24+$0x0], $0xffff;
	v46 =	vsub.f32 $0.0e+00, v46;
	v56 =	vadd.f32 $1.000000000e+00, v61;
	v62 =	vpop (erf)  }
0x145: {  	v57 =	vsub.f32 $0.0e+00, v47;
	(erf) = vrcp.f32 v60;
	v60 =	vmul.f32 $5.500000000e+00, v62  }
0x146: {  	v59 =	vmul.f32 $1.442695020e+00, v46;
	v58 =	vadd.f32 v63, v49;
	v45 =	vld.idx.msk [tilespmem:v43+s21+$0x0], $0xffff;
	(erf) = vrcp.f32 v56;
	v63 =	vpop (erf)  }
0x147: {  	v47 =	vld.idx.msk [tilespmem:v44+s21+$0x0], $0xffff;
	v53 =	vmul.f32 $1.442695020e+00, v57;
	v46 =	vmul.f32 $5.500000000e+00, v63;
	[tilespmem:v50+s21+$0x0] =	vst.idx.msk $0xffff, v60;
	v50 =	vmov v43  }
0x148: {  	s1 =	simm.s32 $0xA;
	s5 =	simm.s32 $0xD0;
	v51 =	vadd.f32 v55, v58;
	v49 =	vld.idx.msk [tilespmem:v44+s23+$0x0], $0xffff;
	(erf) = vpow2.f32 v59  }
.LBB2_10:
0x149: {  	v54 =	vld.idx.msk [tilespmem:v43+s23+$0x0], $0xffff;
	v52 =	vadd.f32 v48, v52;
	(erf) = vpow2.f32 v53;
	v48 =	vpop (erf);
	[tilespmem:v33+s21+$0x0] =	vst.idx.msk $0xffff, v46;
	v33 =	vmov v34  }
0x14a: {  	s6 =	sadd.s32 $0xFFFFFFF0, s5;
	v34 =	vmovc v36;
	v36 =	vmovc v38;
	v38 =	vmov v41;
	v41 =	vmov v43;
	v43 =	vor.u32 s5, v0  }
0x14b: {  	s1 =	sadd.s32 $0x2, s1;
	v55 =	vor.u32 s6, v0;
	v56 =	vld.idx.msk [tilespmem:v44+s24+$0x0], $0xffff;
	v46 =	vadd.f32 v51, v40;
	v51 =	vadd.f32 $1.000000000e+00, v48;
	v53 =	vpop (erf)  }
0x14c: {  	v57 =	vmovc v37;
	v37 =	vmovc v39;
	p0 =	slt.u32 s1, $0x1E;
	v48 =	vld.idx.msk [tilespmem:v50+s24+$0x0], $0xffff;
	v58 =	vadd.f32 v52, v40;
	v59 =	vadd.f32 $1.000000000e+00, v53;
	v50 =	vmov v43  }
.Ltmp4:
0x14d: {  	v39 =	vmovc v42;
	v42 =	vmovc v44;
	v44 =	vmov v55;
	v61 =	vsub.f32 $0.0e+00, v46;
	(erf) = vrcp.f32 v51;
	(pc) =	sbr.rel @p0 .LBB2_10-.Ltmp4, $4  }
0x14e: {  	v53 =	vmov v45;
	v51 =	vsub.f32 $0.0e+00, v58;
	(erf) = vrcp.f32 v59;
	v52 =	vpop (erf)  }
0x14f: {  	v58 =	vadd.f32 v49, v47;
	v45 =	vld.idx.msk [tilespmem:v43+s21+$0x0], $0xffff;
	v59 =	vmul.f32 $1.442695020e+00, v61;
	v60 =	vmul.f32 $5.500000000e+00, v52;
	v46 =	vpop (erf)  }
0x150: {  	v52 =	vadd.f32 v54, v53;
	v47 =	vld.idx.msk [tilespmem:v55+s21+$0x0], $0xffff;
	v53 =	vmul.f32 $1.442695020e+00, v51;
	v46 =	vmul.f32 $5.500000000e+00, v46  }
0x151: {  	s5 =	sadd.s32 $0x20, s5;
	v51 =	vadd.f32 v56, v58;
	v49 =	vld.idx.msk [tilespmem:v55+s23+$0x0], $0xffff;
	(erf) = vpow2.f32 v59;
	[tilespmem:v35+s21+$0x0] =	vst.idx.msk $0xffff, v60;
	v35 =	vmov v57  }
0x152: {  	_ =	sdelay $0x3  }
0x153: {  	v54 =	vld.idx.msk [tilespmem:v43+s23+$0x0], $0xffff  }
0x154: {  	(erf) = vpow2.f32 v53;
	v57 =	vld.idx.msk [tilespmem:v44+s24+$0x0], $0xffff  }
0x155: {  	v58 =	vpop (erf);
	v50 =	vld.idx.msk [tilespmem:v50+s24+$0x0], $0xffff;
	v51 =	vadd.f32 v51, v40  }
0x156: {  	v48 =	vadd.f32 v48, v52;
	v52 =	vadd.f32 $1.000000000e+00, v58  }
0x157: {  	v51 =	vsub.f32 $0.0e+00, v51;
	v47 =	vadd.f32 v49, v47  }
0x158: {  	v59 =	vpop (erf);
	v48 =	vadd.f32 v48, v40;
	v45 =	vadd.f32 v54, v45  }
0x159: {  	v49 =	vadd.f32 $1.000000000e+00, v59;
	v47 =	vadd.f32 v57, v47  }
0x15a: {  	v48 =	vsub.f32 $0.0e+00, v48;
	v53 =	vpop (erf);
	v45 =	vadd.f32 v50, v45  }
0x15b: {  	(erf) = vrcp.f32 v52;
	v60 =	vmul.f32 $1.442695020e+00, v51;
	v51 =	vpop (erf);
	v47 =	vadd.f32 v47, v40  }
0x15c: {  	(erf) = vrcp.f32 v49;
	v48 =	vmul.f32 $1.442695020e+00, v48;
	v61 =	vpop (erf);
	v62 =	vadd.f32 v45, v40  }
0x15d: {  	(erf) = vpow2.f32 v60;
	v63 =	vadd.f32 $1.000000000e+00, v61;
	v52 =	vpop (erf);
	v47 =	vsub.f32 $0.0e+00, v47  }
0x15e: {  	(erf) = vpow2.f32 v48;
	v54 =	vadd.f32 $1.000000000e+00, v52;
	v40 =	vsub.f32 $0.0e+00, v62  }
0x15f: {  	(erf) = vrcp.f32 v63;
	v55 =	vmul.f32 $1.442695020e+00, v47  }
0x160: {  	(erf) = vrcp.f32 v54;
	v40 =	vmul.f32 $1.442695020e+00, v40  }
0x161: {  	(erf) = vpow2.f32 v55  }
0x162: {  	(erf) = vpow2.f32 v40;
	_ =	sdelay $0x1  }
0x163: {  	v40 =	vpop (erf)  }
0x164: {  	v45 =	vpop (erf)  }
0x165: {  	v56 =	vpop (erf)  }
0x166: {  	v57 =	vpop (erf)  }
0x167: {  	v58 =	vpop (erf)  }
0x168: {  	v47 =	vadd.f32 $1.000000000e+00, v56;
	v59 =	vpop (erf)  }
0x169: {  	v48 =	vadd.f32 $1.000000000e+00, v57;
	v60 =	vpop (erf)  }
0x16a: {  	(erf) = vrcp.f32 v47;
	v61 =	vadd.f32 $1.000000000e+00, v60;
	v62 =	vpop (erf)  }
0x16b: {  	(erf) = vrcp.f32 v48;
	v63 =	vadd.f32 $1.000000000e+00, v62  }
0x16c: {  	(erf) = vrcp.f32 v61  }
0x16d: {  	(erf) = vrcp.f32 v63  }
0x16e: {  	v51 =	vmul.f32 $5.500000000e+00, v51  }
0x16f: {  	[tilespmem:v33+s21+$0x0] =	vst.idx.msk $0xffff, v46;
	v52 =	vmul.f32 $5.500000000e+00, v40  }
0x170: {  	[tilespmem:v34+s21+$0x0] =	vst.idx.msk $0xffff, v51;
	v54 =	vmul.f32 $5.500000000e+00, v58  }
0x171: {  	[tilespmem:v37+s21+$0x0] =	vst.idx.msk $0xffff, v52;
	v48 =	vmul.f32 $5.500000000e+00, v53  }
0x172: {  	v53 =	vmul.f32 $5.500000000e+00, v45;
	[tilespmem:v39+s21+$0x0] =	vst.idx.msk $0xffff, v54  }
0x173: {  	v55 =	vmul.f32 $5.500000000e+00, v59;
	[tilespmem:v35+s21+$0x0] =	vst.idx.msk $0xffff, v48;
	v56 =	vpop (erf)  }
0x174: {  	[tilespmem:v36+s21+$0x0] =	vst.idx.msk $0xffff, v53;
	v57 =	vmul.f32 $5.500000000e+00, v56;
	v58 =	vpop (erf)  }
0x175: {  	[tilespmem:v38+s21+$0x0] =	vst.idx.msk $0xffff, v55;
	v59 =	vmul.f32 $5.500000000e+00, v58;
	v60 =	vpop (erf)  }
0x176: {  	[tilespmem:v42+s21+$0x0] =	vst.idx.msk $0xffff, v57;
	v61 =	vmul.f32 $5.500000000e+00, v60;
	v62 =	vpop (erf)  }
0x177: {  	s26 =	sadd.s32 $0x1, s26;
	[tilespmem:v41+s21+$0x0] =	vst.idx.msk $0xffff, v59;
	v63 =	vmul.f32 $5.500000000e+00, v62  }
0x178: {  	p0 =	sne.s32 s26, s11;
	[tilespmem:v44+s21+$0x0] =	vst.idx.msk $0xffff, v61  }
.Ltmp5:
0x179: {  	[tilespmem:v43+s21+$0x0] =	vst.idx.msk $0xffff, v63;
	(pc) =	sbr.rel @p0 .LBB2_1-.Ltmp5, $4  }
0x17a: {  	[hbm4b:s10+s7] =	stream.linear.scatter [tilespmem:s21], [sflag:$0x4], $0x200, $0x38;
	[tilespmem:$0xCD00] =	vst v63  }
0x17b: {  	_ =	swait.ge [sflag:s14], $0x200  }
0x17c: {  	[sflag:s14] =	ssyncset.done $0x0  }
0x17d: {  	[sflag:s14] =	ssyncadd.s32 $0xFFFFFE00  }
0x17e: {  	_ =	sfence.sel $0x180000  }
0x17f: {  	[bflag:$0x0] =	sbarrier.arrive $0xFFFF  }
0x180: {  	_ =	strace $0x90000047  }
0x181: {  	s0 =	stileid.u32;
	[bflag:$0x2] =	sbarrier.arrive $0xFFFF  }
0x182: {  	p0 =	sne.s32 s0, $0x0;
	s0 =	rddreg [dreg:$0x8]  }
0x183: {  	s0 =	sadd.s32 @!p0 $0x100000, s0  }
0x184: {  	[sflag:s0] =	ssyncadd.tile.s32 @!p0 $0x1;
	_ =	shalt  }
.Lfunc_end2:
_tile_overlayer_lowered:
.L_overlay_start_2:
0x185: {  	(tag) =	ssettag $0x2  }
0x186: {  	s0 =	rddreg [dreg:$0x0];
	s2 =	stileid.u32  }
0x187: {  	s1 =	rddreg [dreg:$0x1];
	p0 =	sne.s32 s2, $0x0  }
0x188: {  	s3 =	rddreg [dreg:$0x2];
	[bflag:$0x3] =	sbarrier.arrive $0xFFFF;
	s2 =	simm.s32 @!p0 $0x1C04  }
0x189: {  	[timem:s3], [sflag:s2] =	dma.local @!p0 [hbm:s0], s1  }
0x18a: {  	s0 =	simm.s32 @!p0 $0x4  }
0x18b: {  	_ =	swait.ge @!p0 [sflag:s0], s1  }
0x18c: {  	s1 =	ssub.s32 @!p0 $0x0, s1;
	[sflag:s0] =	ssyncset.done @!p0 $0x0  }
0x18d: {  	[sflag:s0] =	ssyncadd.s32 @!p0 s1  }
0x18e: {  	[bflag:$0x3] =	sbarrier.arrive $0xFFFF  }
0x18f: {  	_ =	shalt  }

</sc_bundles>
